<compile_context>
chip_gen: v7x
topology: tpu7x:2x2x1
jax: 0.10.2.dev20260603
libtpu: 0.0.44.dev20260713+nightly
codegen_flags: <defaults>
</compile_context>

<pallas_src>
import jax
import jax.numpy as jnp
from jax import lax
from jax.experimental import pallas as pl
from jax.experimental.pallas import tpu as pltpu
from jax.experimental.pallas import tpu_sc as plsc

D = 128

NC = 2
NS = 16
NW = NC * NS

B = 4096 * 200
PER_W = B // NW
CHUNK = 128
NCHUNK = PER_W // CHUNK
NBUF = 5


def _gather_body(x_hbm, table_hbm, out_hbm, idx_v, rows_v, *sems):
    gsems = sems[:NBUF]
    wsems = sems[NBUF:]
    wid = lax.axis_index("s") * NC + lax.axis_index("c")
    row0 = wid * NCHUNK

    pltpu.sync_copy(x_hbm.at[pl.ds(row0, NCHUNK)], idx_v)

    def out_slice(j):
        return out_hbm.at[pl.ds((row0 + j) * CHUNK, CHUNK)]

    for b in range(NBUF):
        pltpu.async_copy(table_hbm.at[idx_v.at[b]], rows_v.at[b], gsems[b])

    def step(i, carry):
        g0 = i * NBUF
        for b in range(NBUF):
            j = g0 + b
            pltpu.make_async_copy(
                table_hbm.at[idx_v.at[j]], rows_v.at[b], gsems[b]
            ).wait()
            pltpu.async_copy(rows_v.at[b], out_slice(j), wsems[b])
            pltpu.make_async_copy(rows_v.at[b], out_slice(j), wsems[b]).wait()
            pltpu.async_copy(
                table_hbm.at[idx_v.at[j + NBUF]], rows_v.at[b], gsems[b]
            )
        return carry

    n_steady = NCHUNK // NBUF - 1
    lax.fori_loop(0, n_steady, step, 0)

    for b in range(NBUF):
        j = NCHUNK - NBUF + b
        pltpu.make_async_copy(
            table_hbm.at[idx_v.at[j]], rows_v.at[b], gsems[b]
        ).wait()
        pltpu.async_copy(rows_v.at[b], out_slice(j), wsems[b])
    for b in range(NBUF):
        j = NCHUNK - NBUF + b
        pltpu.make_async_copy(rows_v.at[b], out_slice(j), wsems[b]).wait()


_gather = pl.kernel(
    _gather_body,
    out_type=jax.ShapeDtypeStruct((B, D), jnp.float32),
    mesh=plsc.VectorSubcoreMesh(core_axis_name="c", subcore_axis_name="s"),
    scratch_types=(
        [
            pltpu.VMEM((NCHUNK, CHUNK), jnp.int32),
            pltpu.VMEM((NBUF, CHUNK, D), jnp.float32),
        ]
        + [pltpu.SemaphoreType.DMA] * (2 * NBUF)
    ),
)


def kernel(x, embedding, new_embedding):
    table = jnp.concatenate([embedding, new_embedding], axis=0)
    x2d = x.reshape(B // CHUNK, CHUNK).astype(jnp.int32)
    out = _gather(x2d, table)
    return out.reshape(x.shape[0], x.shape[1], D)

# --- scband reference (transcript-rebuilt; emitter-appended) ---
"""Pipeline reference for scband-molmo2-embedding-36163624632534 (READ-ONLY COPY).

The authoritative reference and input builder live on the scoring server;
editing this copy changes nothing except your own understanding.
"""

import jax, jax.numpy as jnp
import numpy as np

NUM_EMBEDDINGS = 100000
NUM_NEW_EMBEDDINGS = 1024
FEATURES = 128


def setup_inputs(seed: int = 0) -> dict:
    key = jax.random.key(seed)
    k_idx, k_emb, k_new = jax.random.split(key, 3)
    x = jax.random.randint(k_idx, (4096, 200), 0, NUM_EMBEDDINGS + NUM_NEW_EMBEDDINGS, dtype=jnp.int64 if jax.config.jax_enable_x64 else jnp.int32)
    embedding = jax.random.normal(k_emb, (NUM_EMBEDDINGS, FEATURES), dtype=jnp.float32) * 0.02
    new_embedding = jax.random.normal(k_new, (NUM_NEW_EMBEDDINGS, FEATURES), dtype=jnp.float32) * 0.02
    return {"x": x, "embedding": embedding, "new_embedding": new_embedding}


def reference(x, embedding, new_embedding):
    # F.embedding(x, torch.cat([embedding, new_embedding], dim=0))
    table = jnp.concatenate([embedding, new_embedding], axis=0)
    return jnp.take(table, x, axis=0)

if __name__ == "__main__":
    import jax
    _d = setup_inputs()
    print(jax.jit(kernel)(*tuple(_d.values())))

</pallas_src>

<mosaic_0001>
#map = affine_map<(d0, d1) -> (0, 0)>
module attributes {stable_mosaic.version = 14 : i64} {
  func.func @_gather_body(%arg0: i32, %arg1: i32, %arg2: memref<6400x128xi32, #tpu.memory_space<hbm>>, %arg3: memref<101024x128xf32, #tpu.memory_space<hbm>>, %arg4: memref<819200x128xf32, #tpu.memory_space<hbm>>, %arg5: memref<200x128xi32, #tpu.memory_space<vmem>>, %arg6: memref<5x128x128xf32, #tpu.memory_space<vmem>>, %arg7: memref<!tpu.dma_semaphore, #tpu.memory_space<semaphore_mem>>, %arg8: memref<!tpu.dma_semaphore, #tpu.memory_space<semaphore_mem>>, %arg9: memref<!tpu.dma_semaphore, #tpu.memory_space<semaphore_mem>>, %arg10: memref<!tpu.dma_semaphore, #tpu.memory_space<semaphore_mem>>, %arg11: memref<!tpu.dma_semaphore, #tpu.memory_space<semaphore_mem>>, %arg12: memref<!tpu.dma_semaphore, #tpu.memory_space<semaphore_mem>>, %arg13: memref<!tpu.dma_semaphore, #tpu.memory_space<semaphore_mem>>, %arg14: memref<!tpu.dma_semaphore, #tpu.memory_space<semaphore_mem>>, %arg15: memref<!tpu.dma_semaphore, #tpu.memory_space<semaphore_mem>>, %arg16: memref<!tpu.dma_semaphore, #tpu.memory_space<semaphore_mem>>) attributes {dimension_semantics = [#tpu.dimension_semantics<core_parallel>, #tpu.dimension_semantics<subcore_parallel>], iteration_bounds = array<i64: 2, 16>, scalar_prefetch = 0 : i64, scratch_operands = 12 : i64, tpu.core_type = #tpu.core_type<sc_vector_subcore>, window_params = [{transform_indices = #map}, {transform_indices = #map}, {transform_indices = #map}]} {
    %mul3A = arith.constant 2 : i32
    %mul3A_0 = arith.muli %arg1, %mul3A : i32
    %add3A = arith.addi %mul3A_0, %arg0 : i32
    %mul3A_1 = arith.constant 200 : i32
    %mul3A_2 = arith.muli %add3A, %mul3A_1 : i32
    "tpu.region"() ({
      %run_scoped3A = tpu.sem_alloc : memref<!tpu.dma_semaphore, #tpu.memory_space<semaphore_mem>>
      %dma_start3A_296 = arith.constant 0 : i32
      %dma_start3A_297 = tpu.memref_slice %arg2[%mul3A_2, %dma_start3A_296] : memref<6400x128xi32, #tpu.memory_space<hbm>> -> memref<200x128xi32, #tpu.memory_space<hbm>>
      %dma_start3A_298 = arith.constant 0 : i32
      %dma_start3A_299 = tpu.memref_slice %arg2[%mul3A_2, %dma_start3A_298] : memref<6400x128xi32, #tpu.memory_space<hbm>> -> memref<200x128xi32, #tpu.memory_space<hbm>>
      tpu.enqueue_dma source(%dma_start3A_299 : memref<200x128xi32, #tpu.memory_space<hbm>>) target(%arg5 : memref<200x128xi32, #tpu.memory_space<vmem>>) target_semaphore(%run_scoped3A : memref<!tpu.dma_semaphore, #tpu.memory_space<semaphore_mem>>)
      %dma_wait3A_300 = arith.constant 0 : i32
      %dma_wait3A_301 = tpu.memref_slice %arg2[%mul3A_2, %dma_wait3A_300] : memref<6400x128xi32, #tpu.memory_space<hbm>> -> memref<200x128xi32, #tpu.memory_space<hbm>>
      %dma_wait3A_302 = arith.constant 0 : i32
      %dma_wait3A_303 = tpu.memref_slice %arg2[%mul3A_2, %dma_wait3A_302] : memref<6400x128xi32, #tpu.memory_space<hbm>> -> memref<200x128xi32, #tpu.memory_space<hbm>>
      tpu.wait_dma2 semaphore(%run_scoped3A : memref<!tpu.dma_semaphore, #tpu.memory_space<semaphore_mem>>) src(%dma_wait3A_303 : memref<200x128xi32, #tpu.memory_space<hbm>>) dst(%arg5 : memref<200x128xi32, #tpu.memory_space<vmem>>)
      tpu.yield
    }) : () -> ()
    %dma_start3A = arith.constant 0 : i32
    %dma_start3A_3 = arith.constant 0 : i32
    %dma_start3A_4 = arith.constant 0 : i32
    %dma_start3A_5 = arith.constant 0 : i32
    %dma_start3A_6 = tpu.memref_slice %arg6[%dma_start3A_3, %dma_start3A_4, %dma_start3A_5] : memref<5x128x128xf32, #tpu.memory_space<vmem>> -> memref<1x128x128xf32, #tpu.memory_space<vmem>>
    %dma_start3A_7 = tpu.memref_squeeze %dma_start3A_6 : memref<1x128x128xf32, #tpu.memory_space<vmem>> -> memref<128x128xf32, #tpu.memory_space<vmem>>
    %dma_start3A_8 = arith.constant 0 : i32
    %dma_start3A_9 = tpu.memref_slice %arg5[%dma_start3A, %dma_start3A_8] : memref<200x128xi32, #tpu.memory_space<vmem>> -> memref<1x128xi32, #tpu.memory_space<vmem>>
    %dma_start3A_10 = tpu.memref_squeeze %dma_start3A_9 : memref<1x128xi32, #tpu.memory_space<vmem>> -> memref<128xi32, #tpu.memory_space<vmem>>
    %dma_start3A_11 = arith.constant 0 : i32
    %dma_start3A_12 = arith.constant 0 : i32
    %dma_start3A_13 = tpu.memref_slice %arg3[%dma_start3A_11, %dma_start3A_12] : memref<101024x128xf32, #tpu.memory_space<hbm>> -> memref<101024x128xf32, #tpu.memory_space<hbm>>
    tpu.enqueue_indirect_dma source(%dma_start3A_13 : memref<101024x128xf32, #tpu.memory_space<hbm>>) target(%dma_start3A_7 : memref<128x128xf32, #tpu.memory_space<vmem>>) offsets(%dma_start3A_10 : memref<128xi32, #tpu.memory_space<vmem>>) semaphore(%arg7 : memref<!tpu.dma_semaphore, #tpu.memory_space<semaphore_mem>>)
    %dma_start3A_14 = arith.constant 1 : i32
    %dma_start3A_15 = arith.constant 1 : i32
    %dma_start3A_16 = arith.constant 0 : i32
    %dma_start3A_17 = arith.constant 0 : i32
    %dma_start3A_18 = tpu.memref_slice %arg6[%dma_start3A_15, %dma_start3A_16, %dma_start3A_17] : memref<5x128x128xf32, #tpu.memory_space<vmem>> -> memref<1x128x128xf32, #tpu.memory_space<vmem>>
    %dma_start3A_19 = tpu.memref_squeeze %dma_start3A_18 : memref<1x128x128xf32, #tpu.memory_space<vmem>> -> memref<128x128xf32, #tpu.memory_space<vmem>>
    %dma_start3A_20 = arith.constant 0 : i32
    %dma_start3A_21 = tpu.memref_slice %arg5[%dma_start3A_14, %dma_start3A_20] : memref<200x128xi32, #tpu.memory_space<vmem>> -> memref<1x128xi32, #tpu.memory_space<vmem>>
    %dma_start3A_22 = tpu.memref_squeeze %dma_start3A_21 : memref<1x128xi32, #tpu.memory_space<vmem>> -> memref<128xi32, #tpu.memory_space<vmem>>
    %dma_start3A_23 = arith.constant 0 : i32
    %dma_start3A_24 = arith.constant 0 : i32
    %dma_start3A_25 = tpu.memref_slice %arg3[%dma_start3A_23, %dma_start3A_24] : memref<101024x128xf32, #tpu.memory_space<hbm>> -> memref<101024x128xf32, #tpu.memory_space<hbm>>
    tpu.enqueue_indirect_dma source(%dma_start3A_25 : memref<101024x128xf32, #tpu.memory_space<hbm>>) target(%dma_start3A_19 : memref<128x128xf32, #tpu.memory_space<vmem>>) offsets(%dma_start3A_22 : memref<128xi32, #tpu.memory_space<vmem>>) semaphore(%arg8 : memref<!tpu.dma_semaphore, #tpu.memory_space<semaphore_mem>>)
    %dma_start3A_26 = arith.constant 2 : i32
    %dma_start3A_27 = arith.constant 2 : i32
    %dma_start3A_28 = arith.constant 0 : i32
    %dma_start3A_29 = arith.constant 0 : i32
    %dma_start3A_30 = tpu.memref_slice %arg6[%dma_start3A_27, %dma_start3A_28, %dma_start3A_29] : memref<5x128x128xf32, #tpu.memory_space<vmem>> -> memref<1x128x128xf32, #tpu.memory_space<vmem>>
    %dma_start3A_31 = tpu.memref_squeeze %dma_start3A_30 : memref<1x128x128xf32, #tpu.memory_space<vmem>> -> memref<128x128xf32, #tpu.memory_space<vmem>>
    %dma_start3A_32 = arith.constant 0 : i32
    %dma_start3A_33 = tpu.memref_slice %arg5[%dma_start3A_26, %dma_start3A_32] : memref<200x128xi32, #tpu.memory_space<vmem>> -> memref<1x128xi32, #tpu.memory_space<vmem>>
    %dma_start3A_34 = tpu.memref_squeeze %dma_start3A_33 : memref<1x128xi32, #tpu.memory_space<vmem>> -> memref<128xi32, #tpu.memory_space<vmem>>
    %dma_start3A_35 = arith.constant 0 : i32
    %dma_start3A_36 = arith.constant 0 : i32
    %dma_start3A_37 = tpu.memref_slice %arg3[%dma_start3A_35, %dma_start3A_36] : memref<101024x128xf32, #tpu.memory_space<hbm>> -> memref<101024x128xf32, #tpu.memory_space<hbm>>
    tpu.enqueue_indirect_dma source(%dma_start3A_37 : memref<101024x128xf32, #tpu.memory_space<hbm>>) target(%dma_start3A_31 : memref<128x128xf32, #tpu.memory_space<vmem>>) offsets(%dma_start3A_34 : memref<128xi32, #tpu.memory_space<vmem>>) semaphore(%arg9 : memref<!tpu.dma_semaphore, #tpu.memory_space<semaphore_mem>>)
    %dma_start3A_38 = arith.constant 3 : i32
    %dma_start3A_39 = arith.constant 3 : i32
    %dma_start3A_40 = arith.constant 0 : i32
    %dma_start3A_41 = arith.constant 0 : i32
    %dma_start3A_42 = tpu.memref_slice %arg6[%dma_start3A_39, %dma_start3A_40, %dma_start3A_41] : memref<5x128x128xf32, #tpu.memory_space<vmem>> -> memref<1x128x128xf32, #tpu.memory_space<vmem>>
    %dma_start3A_43 = tpu.memref_squeeze %dma_start3A_42 : memref<1x128x128xf32, #tpu.memory_space<vmem>> -> memref<128x128xf32, #tpu.memory_space<vmem>>
    %dma_start3A_44 = arith.constant 0 : i32
    %dma_start3A_45 = tpu.memref_slice %arg5[%dma_start3A_38, %dma_start3A_44] : memref<200x128xi32, #tpu.memory_space<vmem>> -> memref<1x128xi32, #tpu.memory_space<vmem>>
    %dma_start3A_46 = tpu.memref_squeeze %dma_start3A_45 : memref<1x128xi32, #tpu.memory_space<vmem>> -> memref<128xi32, #tpu.memory_space<vmem>>
    %dma_start3A_47 = arith.constant 0 : i32
    %dma_start3A_48 = arith.constant 0 : i32
    %dma_start3A_49 = tpu.memref_slice %arg3[%dma_start3A_47, %dma_start3A_48] : memref<101024x128xf32, #tpu.memory_space<hbm>> -> memref<101024x128xf32, #tpu.memory_space<hbm>>
    tpu.enqueue_indirect_dma source(%dma_start3A_49 : memref<101024x128xf32, #tpu.memory_space<hbm>>) target(%dma_start3A_43 : memref<128x128xf32, #tpu.memory_space<vmem>>) offsets(%dma_start3A_46 : memref<128xi32, #tpu.memory_space<vmem>>) semaphore(%arg10 : memref<!tpu.dma_semaphore, #tpu.memory_space<semaphore_mem>>)
    %dma_start3A_50 = arith.constant 4 : i32
    %dma_start3A_51 = arith.constant 4 : i32
    %dma_start3A_52 = arith.constant 0 : i32
    %dma_start3A_53 = arith.constant 0 : i32
    %dma_start3A_54 = tpu.memref_slice %arg6[%dma_start3A_51, %dma_start3A_52, %dma_start3A_53] : memref<5x128x128xf32, #tpu.memory_space<vmem>> -> memref<1x128x128xf32, #tpu.memory_space<vmem>>
    %dma_start3A_55 = tpu.memref_squeeze %dma_start3A_54 : memref<1x128x128xf32, #tpu.memory_space<vmem>> -> memref<128x128xf32, #tpu.memory_space<vmem>>
    %dma_start3A_56 = arith.constant 0 : i32
    %dma_start3A_57 = tpu.memref_slice %arg5[%dma_start3A_50, %dma_start3A_56] : memref<200x128xi32, #tpu.memory_space<vmem>> -> memref<1x128xi32, #tpu.memory_space<vmem>>
    %dma_start3A_58 = tpu.memref_squeeze %dma_start3A_57 : memref<1x128xi32, #tpu.memory_space<vmem>> -> memref<128xi32, #tpu.memory_space<vmem>>
    %dma_start3A_59 = arith.constant 0 : i32
    %dma_start3A_60 = arith.constant 0 : i32
    %dma_start3A_61 = tpu.memref_slice %arg3[%dma_start3A_59, %dma_start3A_60] : memref<101024x128xf32, #tpu.memory_space<hbm>> -> memref<101024x128xf32, #tpu.memory_space<hbm>>
    tpu.enqueue_indirect_dma source(%dma_start3A_61 : memref<101024x128xf32, #tpu.memory_space<hbm>>) target(%dma_start3A_55 : memref<128x128xf32, #tpu.memory_space<vmem>>) offsets(%dma_start3A_58 : memref<128xi32, #tpu.memory_space<vmem>>) semaphore(%arg11 : memref<!tpu.dma_semaphore, #tpu.memory_space<semaphore_mem>>)
    %scan3A = arith.constant 0 : i32
    %scan3A_62 = arith.constant 0 : i32
    %scan3A_63 = arith.constant 39 : i32
    %scan3A_64 = arith.addi %scan3A_62, %scan3A_63 : i32
    %scan3A_65 = arith.constant 1 : i32
    scf.for %scan3A_296 = %scan3A_62 to %scan3A_64 step %scan3A_65  : i32 {
      %mul3A_297 = arith.constant 5 : i32
      %mul3A_298 = arith.muli %scan3A_296, %mul3A_297 : i32
      %add3A_299 = arith.constant 0 : i32
      %add3A_300 = arith.addi %mul3A_298, %add3A_299 : i32
      %dma_wait3A_301 = arith.constant 0 : i32
      %dma_wait3A_302 = arith.constant 0 : i32
      %dma_wait3A_303 = arith.constant 0 : i32
      %dma_wait3A_304 = tpu.memref_slice %arg6[%dma_wait3A_301, %dma_wait3A_302, %dma_wait3A_303] : memref<5x128x128xf32, #tpu.memory_space<vmem>> -> memref<1x128x128xf32, #tpu.memory_space<vmem>>
      %dma_wait3A_305 = tpu.memref_squeeze %dma_wait3A_304 : memref<1x128x128xf32, #tpu.memory_space<vmem>> -> memref<128x128xf32, #tpu.memory_space<vmem>>
      %dma_wait3A_306 = arith.constant 0 : i32
      %dma_wait3A_307 = tpu.memref_slice %arg5[%add3A_300, %dma_wait3A_306] : memref<200x128xi32, #tpu.memory_space<vmem>> -> memref<1x128xi32, #tpu.memory_space<vmem>>
      %dma_wait3A_308 = tpu.memref_squeeze %dma_wait3A_307 : memref<1x128xi32, #tpu.memory_space<vmem>> -> memref<128xi32, #tpu.memory_space<vmem>>
      %dma_wait3A_309 = arith.constant 0 : i32
      %dma_wait3A_310 = arith.constant 0 : i32
      %dma_wait3A_311 = tpu.memref_slice %arg3[%dma_wait3A_309, %dma_wait3A_310] : memref<101024x128xf32, #tpu.memory_space<hbm>> -> memref<101024x128xf32, #tpu.memory_space<hbm>>
      tpu.wait_indirect_dma semaphore(%arg7 : memref<!tpu.dma_semaphore, #tpu.memory_space<semaphore_mem>>) src(%dma_wait3A_311 : memref<101024x128xf32, #tpu.memory_space<hbm>>) dst(%dma_wait3A_305 : memref<128x128xf32, #tpu.memory_space<vmem>>)
      %add3A_312 = arith.addi %mul3A_2, %add3A_300 : i32
      %mul3A_313 = arith.constant 128 : i32
      %mul3A_314 = arith.muli %add3A_312, %mul3A_313 : i32
      %dma_start3A_315 = arith.constant 0 : i32
      %dma_start3A_316 = arith.constant 0 : i32
      %dma_start3A_317 = arith.constant 0 : i32
      %dma_start3A_318 = tpu.memref_slice %arg6[%dma_start3A_315, %dma_start3A_316, %dma_start3A_317] : memref<5x128x128xf32, #tpu.memory_space<vmem>> -> memref<1x128x128xf32, #tpu.memory_space<vmem>>
      %dma_start3A_319 = tpu.memref_squeeze %dma_start3A_318 : memref<1x128x128xf32, #tpu.memory_space<vmem>> -> memref<128x128xf32, #tpu.memory_space<vmem>>
      %dma_start3A_320 = arith.constant 0 : i32
      %dma_start3A_321 = tpu.memref_slice %arg4[%mul3A_314, %dma_start3A_320] : memref<819200x128xf32, #tpu.memory_space<hbm>> -> memref<128x128xf32, #tpu.memory_space<hbm>>
      %dma_start3A_322 = arith.constant 0 : i32
      %dma_start3A_323 = tpu.memref_slice %arg4[%mul3A_314, %dma_start3A_322] : memref<819200x128xf32, #tpu.memory_space<hbm>> -> memref<128x128xf32, #tpu.memory_space<hbm>>
      %dma_start3A_324 = arith.constant 0 : i32
      %dma_start3A_325 = arith.constant 0 : i32
      %dma_start3A_326 = tpu.memref_slice %arg6[%dma_start3A_315, %dma_start3A_324, %dma_start3A_325] : memref<5x128x128xf32, #tpu.memory_space<vmem>> -> memref<1x128x128xf32, #tpu.memory_space<vmem>>
      %dma_start3A_327 = tpu.memref_squeeze %dma_start3A_326 : memref<1x128x128xf32, #tpu.memory_space<vmem>> -> memref<128x128xf32, #tpu.memory_space<vmem>>
      tpu.enqueue_dma source(%dma_start3A_327 : memref<128x128xf32, #tpu.memory_space<vmem>>) target(%dma_start3A_323 : memref<128x128xf32, #tpu.memory_space<hbm>>) target_semaphore(%arg12 : memref<!tpu.dma_semaphore, #tpu.memory_space<semaphore_mem>>)
      %add3A_328 = arith.addi %mul3A_2, %add3A_300 : i32
      %mul3A_329 = arith.constant 128 : i32
      %mul3A_330 = arith.muli %add3A_328, %mul3A_329 : i32
      %dma_wait3A_331 = arith.constant 0 : i32
      %dma_wait3A_332 = arith.constant 0 : i32
      %dma_wait3A_333 = arith.constant 0 : i32
      %dma_wait3A_334 = tpu.memref_slice %arg6[%dma_wait3A_331, %dma_wait3A_332, %dma_wait3A_333] : memref<5x128x128xf32, #tpu.memory_space<vmem>> -> memref<1x128x128xf32, #tpu.memory_space<vmem>>
      %dma_wait3A_335 = tpu.memref_squeeze %dma_wait3A_334 : memref<1x128x128xf32, #tpu.memory_space<vmem>> -> memref<128x128xf32, #tpu.memory_space<vmem>>
      %dma_wait3A_336 = arith.constant 0 : i32
      %dma_wait3A_337 = tpu.memref_slice %arg4[%mul3A_330, %dma_wait3A_336] : memref<819200x128xf32, #tpu.memory_space<hbm>> -> memref<128x128xf32, #tpu.memory_space<hbm>>
      %dma_wait3A_338 = arith.constant 0 : i32
      %dma_wait3A_339 = tpu.memref_slice %arg4[%mul3A_330, %dma_wait3A_338] : memref<819200x128xf32, #tpu.memory_space<hbm>> -> memref<128x128xf32, #tpu.memory_space<hbm>>
      %dma_wait3A_340 = arith.constant 0 : i32
      %dma_wait3A_341 = arith.constant 0 : i32
      %dma_wait3A_342 = tpu.memref_slice %arg6[%dma_wait3A_331, %dma_wait3A_340, %dma_wait3A_341] : memref<5x128x128xf32, #tpu.memory_space<vmem>> -> memref<1x128x128xf32, #tpu.memory_space<vmem>>
      %dma_wait3A_343 = tpu.memref_squeeze %dma_wait3A_342 : memref<1x128x128xf32, #tpu.memory_space<vmem>> -> memref<128x128xf32, #tpu.memory_space<vmem>>
      tpu.wait_dma2 semaphore(%arg12 : memref<!tpu.dma_semaphore, #tpu.memory_space<semaphore_mem>>) src(%dma_wait3A_343 : memref<128x128xf32, #tpu.memory_space<vmem>>) dst(%dma_wait3A_339 : memref<128x128xf32, #tpu.memory_space<hbm>>)
      %add3A_344 = arith.constant 5 : i32
      %add3A_345 = arith.addi %add3A_300, %add3A_344 : i32
      %dma_start3A_346 = arith.constant 0 : i32
      %dma_start3A_347 = arith.constant 0 : i32
      %dma_start3A_348 = arith.constant 0 : i32
      %dma_start3A_349 = tpu.memref_slice %arg6[%dma_start3A_346, %dma_start3A_347, %dma_start3A_348] : memref<5x128x128xf32, #tpu.memory_space<vmem>> -> memref<1x128x128xf32, #tpu.memory_space<vmem>>
      %dma_start3A_350 = tpu.memref_squeeze %dma_start3A_349 : memref<1x128x128xf32, #tpu.memory_space<vmem>> -> memref<128x128xf32, #tpu.memory_space<vmem>>
      %dma_start3A_351 = arith.constant 0 : i32
      %dma_start3A_352 = tpu.memref_slice %arg5[%add3A_345, %dma_start3A_351] : memref<200x128xi32, #tpu.memory_space<vmem>> -> memref<1x128xi32, #tpu.memory_space<vmem>>
      %dma_start3A_353 = tpu.memref_squeeze %dma_start3A_352 : memref<1x128xi32, #tpu.memory_space<vmem>> -> memref<128xi32, #tpu.memory_space<vmem>>
      %dma_start3A_354 = arith.constant 0 : i32
      %dma_start3A_355 = arith.constant 0 : i32
      %dma_start3A_356 = tpu.memref_slice %arg3[%dma_start3A_354, %dma_start3A_355] : memref<101024x128xf32, #tpu.memory_space<hbm>> -> memref<101024x128xf32, #tpu.memory_space<hbm>>
      tpu.enqueue_indirect_dma source(%dma_start3A_356 : memref<101024x128xf32, #tpu.memory_space<hbm>>) target(%dma_start3A_350 : memref<128x128xf32, #tpu.memory_space<vmem>>) offsets(%dma_start3A_353 : memref<128xi32, #tpu.memory_space<vmem>>) semaphore(%arg7 : memref<!tpu.dma_semaphore, #tpu.memory_space<semaphore_mem>>)
      %add3A_357 = arith.constant 1 : i32
      %add3A_358 = arith.addi %mul3A_298, %add3A_357 : i32
      %dma_wait3A_359 = arith.constant 1 : i32
      %dma_wait3A_360 = arith.constant 0 : i32
      %dma_wait3A_361 = arith.constant 0 : i32
      %dma_wait3A_362 = tpu.memref_slice %arg6[%dma_wait3A_359, %dma_wait3A_360, %dma_wait3A_361] : memref<5x128x128xf32, #tpu.memory_space<vmem>> -> memref<1x128x128xf32, #tpu.memory_space<vmem>>
      %dma_wait3A_363 = tpu.memref_squeeze %dma_wait3A_362 : memref<1x128x128xf32, #tpu.memory_space<vmem>> -> memref<128x128xf32, #tpu.memory_space<vmem>>
      %dma_wait3A_364 = arith.constant 0 : i32
      %dma_wait3A_365 = tpu.memref_slice %arg5[%add3A_358, %dma_wait3A_364] : memref<200x128xi32, #tpu.memory_space<vmem>> -> memref<1x128xi32, #tpu.memory_space<vmem>>
      %dma_wait3A_366 = tpu.memref_squeeze %dma_wait3A_365 : memref<1x128xi32, #tpu.memory_space<vmem>> -> memref<128xi32, #tpu.memory_space<vmem>>
      %dma_wait3A_367 = arith.constant 0 : i32
      %dma_wait3A_368 = arith.constant 0 : i32
      %dma_wait3A_369 = tpu.memref_slice %arg3[%dma_wait3A_367, %dma_wait3A_368] : memref<101024x128xf32, #tpu.memory_space<hbm>> -> memref<101024x128xf32, #tpu.memory_space<hbm>>
      tpu.wait_indirect_dma semaphore(%arg8 : memref<!tpu.dma_semaphore, #tpu.memory_space<semaphore_mem>>) src(%dma_wait3A_369 : memref<101024x128xf32, #tpu.memory_space<hbm>>) dst(%dma_wait3A_363 : memref<128x128xf32, #tpu.memory_space<vmem>>)
      %add3A_370 = arith.addi %mul3A_2, %add3A_358 : i32
      %mul3A_371 = arith.constant 128 : i32
      %mul3A_372 = arith.muli %add3A_370, %mul3A_371 : i32
      %dma_start3A_373 = arith.constant 1 : i32
      %dma_start3A_374 = arith.constant 0 : i32
      %dma_start3A_375 = arith.constant 0 : i32
      %dma_start3A_376 = tpu.memref_slice %arg6[%dma_start3A_373, %dma_start3A_374, %dma_start3A_375] : memref<5x128x128xf32, #tpu.memory_space<vmem>> -> memref<1x128x128xf32, #tpu.memory_space<vmem>>
      %dma_start3A_377 = tpu.memref_squeeze %dma_start3A_376 : memref<1x128x128xf32, #tpu.memory_space<vmem>> -> memref<128x128xf32, #tpu.memory_space<vmem>>
      %dma_start3A_378 = arith.constant 0 : i32
      %dma_start3A_379 = tpu.memref_slice %arg4[%mul3A_372, %dma_start3A_378] : memref<819200x128xf32, #tpu.memory_space<hbm>> -> memref<128x128xf32, #tpu.memory_space<hbm>>
      %dma_start3A_380 = arith.constant 0 : i32
      %dma_start3A_381 = tpu.memref_slice %arg4[%mul3A_372, %dma_start3A_380] : memref<819200x128xf32, #tpu.memory_space<hbm>> -> memref<128x128xf32, #tpu.memory_space<hbm>>
      %dma_start3A_382 = arith.constant 0 : i32
      %dma_start3A_383 = arith.constant 0 : i32
      %dma_start3A_384 = tpu.memref_slice %arg6[%dma_start3A_373, %dma_start3A_382, %dma_start3A_383] : memref<5x128x128xf32, #tpu.memory_space<vmem>> -> memref<1x128x128xf32, #tpu.memory_space<vmem>>
      %dma_start3A_385 = tpu.memref_squeeze %dma_start3A_384 : memref<1x128x128xf32, #tpu.memory_space<vmem>> -> memref<128x128xf32, #tpu.memory_space<vmem>>
      tpu.enqueue_dma source(%dma_start3A_385 : memref<128x128xf32, #tpu.memory_space<vmem>>) target(%dma_start3A_381 : memref<128x128xf32, #tpu.memory_space<hbm>>) target_semaphore(%arg13 : memref<!tpu.dma_semaphore, #tpu.memory_space<semaphore_mem>>)
      %add3A_386 = arith.addi %mul3A_2, %add3A_358 : i32
      %mul3A_387 = arith.constant 128 : i32
      %mul3A_388 = arith.muli %add3A_386, %mul3A_387 : i32
      %dma_wait3A_389 = arith.constant 1 : i32
      %dma_wait3A_390 = arith.constant 0 : i32
      %dma_wait3A_391 = arith.constant 0 : i32
      %dma_wait3A_392 = tpu.memref_slice %arg6[%dma_wait3A_389, %dma_wait3A_390, %dma_wait3A_391] : memref<5x128x128xf32, #tpu.memory_space<vmem>> -> memref<1x128x128xf32, #tpu.memory_space<vmem>>
      %dma_wait3A_393 = tpu.memref_squeeze %dma_wait3A_392 : memref<1x128x128xf32, #tpu.memory_space<vmem>> -> memref<128x128xf32, #tpu.memory_space<vmem>>
      %dma_wait3A_394 = arith.constant 0 : i32
      %dma_wait3A_395 = tpu.memref_slice %arg4[%mul3A_388, %dma_wait3A_394] : memref<819200x128xf32, #tpu.memory_space<hbm>> -> memref<128x128xf32, #tpu.memory_space<hbm>>
      %dma_wait3A_396 = arith.constant 0 : i32
      %dma_wait3A_397 = tpu.memref_slice %arg4[%mul3A_388, %dma_wait3A_396] : memref<819200x128xf32, #tpu.memory_space<hbm>> -> memref<128x128xf32, #tpu.memory_space<hbm>>
      %dma_wait3A_398 = arith.constant 0 : i32
      %dma_wait3A_399 = arith.constant 0 : i32
      %dma_wait3A_400 = tpu.memref_slice %arg6[%dma_wait3A_389, %dma_wait3A_398, %dma_wait3A_399] : memref<5x128x128xf32, #tpu.memory_space<vmem>> -> memref<1x128x128xf32, #tpu.memory_space<vmem>>
      %dma_wait3A_401 = tpu.memref_squeeze %dma_wait3A_400 : memref<1x128x128xf32, #tpu.memory_space<vmem>> -> memref<128x128xf32, #tpu.memory_space<vmem>>
      tpu.wait_dma2 semaphore(%arg13 : memref<!tpu.dma_semaphore, #tpu.memory_space<semaphore_mem>>) src(%dma_wait3A_401 : memref<128x128xf32, #tpu.memory_space<vmem>>) dst(%dma_wait3A_397 : memref<128x128xf32, #tpu.memory_space<hbm>>)
      %add3A_402 = arith.constant 5 : i32
      %add3A_403 = arith.addi %add3A_358, %add3A_402 : i32
      %dma_start3A_404 = arith.constant 1 : i32
      %dma_start3A_405 = arith.constant 0 : i32
      %dma_start3A_406 = arith.constant 0 : i32
      %dma_start3A_407 = tpu.memref_slice %arg6[%dma_start3A_404, %dma_start3A_405, %dma_start3A_406] : memref<5x128x128xf32, #tpu.memory_space<vmem>> -> memref<1x128x128xf32, #tpu.memory_space<vmem>>
      %dma_start3A_408 = tpu.memref_squeeze %dma_start3A_407 : memref<1x128x128xf32, #tpu.memory_space<vmem>> -> memref<128x128xf32, #tpu.memory_space<vmem>>
      %dma_start3A_409 = arith.constant 0 : i32
      %dma_start3A_410 = tpu.memref_slice %arg5[%add3A_403, %dma_start3A_409] : memref<200x128xi32, #tpu.memory_space<vmem>> -> memref<1x128xi32, #tpu.memory_space<vmem>>
      %dma_start3A_411 = tpu.memref_squeeze %dma_start3A_410 : memref<1x128xi32, #tpu.memory_space<vmem>> -> memref<128xi32, #tpu.memory_space<vmem>>
      %dma_start3A_412 = arith.constant 0 : i32
      %dma_start3A_413 = arith.constant 0 : i32
      %dma_start3A_414 = tpu.memref_slice %arg3[%dma_start3A_412, %dma_start3A_413] : memref<101024x128xf32, #tpu.memory_space<hbm>> -> memref<101024x128xf32, #tpu.memory_space<hbm>>
      tpu.enqueue_indirect_dma source(%dma_start3A_414 : memref<101024x128xf32, #tpu.memory_space<hbm>>) target(%dma_start3A_408 : memref<128x128xf32, #tpu.memory_space<vmem>>) offsets(%dma_start3A_411 : memref<128xi32, #tpu.memory_space<vmem>>) semaphore(%arg8 : memref<!tpu.dma_semaphore, #tpu.memory_space<semaphore_mem>>)
      %add3A_415 = arith.constant 2 : i32
      %add3A_416 = arith.addi %mul3A_298, %add3A_415 : i32
      %dma_wait3A_417 = arith.constant 2 : i32
      %dma_wait3A_418 = arith.constant 0 : i32
      %dma_wait3A_419 = arith.constant 0 : i32
      %dma_wait3A_420 = tpu.memref_slice %arg6[%dma_wait3A_417, %dma_wait3A_418, %dma_wait3A_419] : memref<5x128x128xf32, #tpu.memory_space<vmem>> -> memref<1x128x128xf32, #tpu.memory_space<vmem>>
      %dma_wait3A_421 = tpu.memref_squeeze %dma_wait3A_420 : memref<1x128x128xf32, #tpu.memory_space<vmem>> -> memref<128x128xf32, #tpu.memory_space<vmem>>
      %dma_wait3A_422 = arith.constant 0 : i32
      %dma_wait3A_423 = tpu.memref_slice %arg5[%add3A_416, %dma_wait3A_422] : memref<200x128xi32, #tpu.memory_space<vmem>> -> memref<1x128xi32, #tpu.memory_space<vmem>>
      %dma_wait3A_424 = tpu.memref_squeeze %dma_wait3A_423 : memref<1x128xi32, #tpu.memory_space<vmem>> -> memref<128xi32, #tpu.memory_space<vmem>>
      %dma_wait3A_425 = arith.constant 0 : i32
      %dma_wait3A_426 = arith.constant 0 : i32
      %dma_wait3A_427 = tpu.memref_slice %arg3[%dma_wait3A_425, %dma_wait3A_426] : memref<101024x128xf32, #tpu.memory_space<hbm>> -> memref<101024x128xf32, #tpu.memory_space<hbm>>
      tpu.wait_indirect_dma semaphore(%arg9 : memref<!tpu.dma_semaphore, #tpu.memory_space<semaphore_mem>>) src(%dma_wait3A_427 : memref<101024x128xf32, #tpu.memory_space<hbm>>) dst(%dma_wait3A_421 : memref<128x128xf32, #tpu.memory_space<vmem>>)
      %add3A_428 = arith.addi %mul3A_2, %add3A_416 : i32
      %mul3A_429 = arith.constant 128 : i32
      %mul3A_430 = arith.muli %add3A_428, %mul3A_429 : i32
      %dma_start3A_431 = arith.constant 2 : i32
      %dma_start3A_432 = arith.constant 0 : i32
      %dma_start3A_433 = arith.constant 0 : i32
      %dma_start3A_434 = tpu.memref_slice %arg6[%dma_start3A_431, %dma_start3A_432, %dma_start3A_433] : memref<5x128x128xf32, #tpu.memory_space<vmem>> -> memref<1x128x128xf32, #tpu.memory_space<vmem>>
      %dma_start3A_435 = tpu.memref_squeeze %dma_start3A_434 : memref<1x128x128xf32, #tpu.memory_space<vmem>> -> memref<128x128xf32, #tpu.memory_space<vmem>>
      %dma_start3A_436 = arith.constant 0 : i32
      %dma_start3A_437 = tpu.memref_slice %arg4[%mul3A_430, %dma_start3A_436] : memref<819200x128xf32, #tpu.memory_space<hbm>> -> memref<128x128xf32, #tpu.memory_space<hbm>>
      %dma_start3A_438 = arith.constant 0 : i32
      %dma_start3A_439 = tpu.memref_slice %arg4[%mul3A_430, %dma_start3A_438] : memref<819200x128xf32, #tpu.memory_space<hbm>> -> memref<128x128xf32, #tpu.memory_space<hbm>>
      %dma_start3A_440 = arith.constant 0 : i32
      %dma_start3A_441 = arith.constant 0 : i32
      %dma_start3A_442 = tpu.memref_slice %arg6[%dma_start3A_431, %dma_start3A_440, %dma_start3A_441] : memref<5x128x128xf32, #tpu.memory_space<vmem>> -> memref<1x128x128xf32, #tpu.memory_space<vmem>>
      %dma_start3A_443 = tpu.memref_squeeze %dma_start3A_442 : memref<1x128x128xf32, #tpu.memory_space<vmem>> -> memref<128x128xf32, #tpu.memory_space<vmem>>
      tpu.enqueue_dma source(%dma_start3A_443 : memref<128x128xf32, #tpu.memory_space<vmem>>) target(%dma_start3A_439 : memref<128x128xf32, #tpu.memory_space<hbm>>) target_semaphore(%arg14 : memref<!tpu.dma_semaphore, #tpu.memory_space<semaphore_mem>>)
      %add3A_444 = arith.addi %mul3A_2, %add3A_416 : i32
      %mul3A_445 = arith.constant 128 : i32
      %mul3A_446 = arith.muli %add3A_444, %mul3A_445 : i32
      %dma_wait3A_447 = arith.constant 2 : i32
      %dma_wait3A_448 = arith.constant 0 : i32
      %dma_wait3A_449 = arith.constant 0 : i32
      %dma_wait3A_450 = tpu.memref_slice %arg6[%dma_wait3A_447, %dma_wait3A_448, %dma_wait3A_449] : memref<5x128x128xf32, #tpu.memory_space<vmem>> -> memref<1x128x128xf32, #tpu.memory_space<vmem>>
      %dma_wait3A_451 = tpu.memref_squeeze %dma_wait3A_450 : memref<1x128x128xf32, #tpu.memory_space<vmem>> -> memref<128x128xf32, #tpu.memory_space<vmem>>
      %dma_wait3A_452 = arith.constant 0 : i32
      %dma_wait3A_453 = tpu.memref_slice %arg4[%mul3A_446, %dma_wait3A_452] : memref<819200x128xf32, #tpu.memory_space<hbm>> -> memref<128x128xf32, #tpu.memory_space<hbm>>
      %dma_wait3A_454 = arith.constant 0 : i32
      %dma_wait3A_455 = tpu.memref_slice %arg4[%mul3A_446, %dma_wait3A_454] : memref<819200x128xf32, #tpu.memory_space<hbm>> -> memref<128x128xf32, #tpu.memory_space<hbm>>
      %dma_wait3A_456 = arith.constant 0 : i32
      %dma_wait3A_457 = arith.constant 0 : i32
      %dma_wait3A_458 = tpu.memref_slice %arg6[%dma_wait3A_447, %dma_wait3A_456, %dma_wait3A_457] : memref<5x128x128xf32, #tpu.memory_space<vmem>> -> memref<1x128x128xf32, #tpu.memory_space<vmem>>
      %dma_wait3A_459 = tpu.memref_squeeze %dma_wait3A_458 : memref<1x128x128xf32, #tpu.memory_space<vmem>> -> memref<128x128xf32, #tpu.memory_space<vmem>>
      tpu.wait_dma2 semaphore(%arg14 : memref<!tpu.dma_semaphore, #tpu.memory_space<semaphore_mem>>) src(%dma_wait3A_459 : memref<128x128xf32, #tpu.memory_space<vmem>>) dst(%dma_wait3A_455 : memref<128x128xf32, #tpu.memory_space<hbm>>)
      %add3A_460 = arith.constant 5 : i32
      %add3A_461 = arith.addi %add3A_416, %add3A_460 : i32
      %dma_start3A_462 = arith.constant 2 : i32
      %dma_start3A_463 = arith.constant 0 : i32
      %dma_start3A_464 = arith.constant 0 : i32
      %dma_start3A_465 = tpu.memref_slice %arg6[%dma_start3A_462, %dma_start3A_463, %dma_start3A_464] : memref<5x128x128xf32, #tpu.memory_space<vmem>> -> memref<1x128x128xf32, #tpu.memory_space<vmem>>
      %dma_start3A_466 = tpu.memref_squeeze %dma_start3A_465 : memref<1x128x128xf32, #tpu.memory_space<vmem>> -> memref<128x128xf32, #tpu.memory_space<vmem>>
      %dma_start3A_467 = arith.constant 0 : i32
      %dma_start3A_468 = tpu.memref_slice %arg5[%add3A_461, %dma_start3A_467] : memref<200x128xi32, #tpu.memory_space<vmem>> -> memref<1x128xi32, #tpu.memory_space<vmem>>
      %dma_start3A_469 = tpu.memref_squeeze %dma_start3A_468 : memref<1x128xi32, #tpu.memory_space<vmem>> -> memref<128xi32, #tpu.memory_space<vmem>>
      %dma_start3A_470 = arith.constant 0 : i32
      %dma_start3A_471 = arith.constant 0 : i32
      %dma_start3A_472 = tpu.memref_slice %arg3[%dma_start3A_470, %dma_start3A_471] : memref<101024x128xf32, #tpu.memory_space<hbm>> -> memref<101024x128xf32, #tpu.memory_space<hbm>>
      tpu.enqueue_indirect_dma source(%dma_start3A_472 : memref<101024x128xf32, #tpu.memory_space<hbm>>) target(%dma_start3A_466 : memref<128x128xf32, #tpu.memory_space<vmem>>) offsets(%dma_start3A_469 : memref<128xi32, #tpu.memory_space<vmem>>) semaphore(%arg9 : memref<!tpu.dma_semaphore, #tpu.memory_space<semaphore_mem>>)
      %add3A_473 = arith.constant 3 : i32
      %add3A_474 = arith.addi %mul3A_298, %add3A_473 : i32
      %dma_wait3A_475 = arith.constant 3 : i32
      %dma_wait3A_476 = arith.constant 0 : i32
      %dma_wait3A_477 = arith.constant 0 : i32
      %dma_wait3A_478 = tpu.memref_slice %arg6[%dma_wait3A_475, %dma_wait3A_476, %dma_wait3A_477] : memref<5x128x128xf32, #tpu.memory_space<vmem>> -> memref<1x128x128xf32, #tpu.memory_space<vmem>>
      %dma_wait3A_479 = tpu.memref_squeeze %dma_wait3A_478 : memref<1x128x128xf32, #tpu.memory_space<vmem>> -> memref<128x128xf32, #tpu.memory_space<vmem>>
      %dma_wait3A_480 = arith.constant 0 : i32
      %dma_wait3A_481 = tpu.memref_slice %arg5[%add3A_474, %dma_wait3A_480] : memref<200x128xi32, #tpu.memory_space<vmem>> -> memref<1x128xi32, #tpu.memory_space<vmem>>
      %dma_wait3A_482 = tpu.memref_squeeze %dma_wait3A_481 : memref<1x128xi32, #tpu.memory_space<vmem>> -> memref<128xi32, #tpu.memory_space<vmem>>
      %dma_wait3A_483 = arith.constant 0 : i32
      %dma_wait3A_484 = arith.constant 0 : i32
      %dma_wait3A_485 = tpu.memref_slice %arg3[%dma_wait3A_483, %dma_wait3A_484] : memref<101024x128xf32, #tpu.memory_space<hbm>> -> memref<101024x128xf32, #tpu.memory_space<hbm>>
      tpu.wait_indirect_dma semaphore(%arg10 : memref<!tpu.dma_semaphore, #tpu.memory_space<semaphore_mem>>) src(%dma_wait3A_485 : memref<101024x128xf32, #tpu.memory_space<hbm>>) dst(%dma_wait3A_479 : memref<128x128xf32, #tpu.memory_space<vmem>>)
      %add3A_486 = arith.addi %mul3A_2, %add3A_474 : i32
      %mul3A_487 = arith.constant 128 : i32
      %mul3A_488 = arith.muli %add3A_486, %mul3A_487 : i32
      %dma_start3A_489 = arith.constant 3 : i32
      %dma_start3A_490 = arith.constant 0 : i32
      %dma_start3A_491 = arith.constant 0 : i32
      %dma_start3A_492 = tpu.memref_slice %arg6[%dma_start3A_489, %dma_start3A_490, %dma_start3A_491] : memref<5x128x128xf32, #tpu.memory_space<vmem>> -> memref<1x128x128xf32, #tpu.memory_space<vmem>>
      %dma_start3A_493 = tpu.memref_squeeze %dma_start3A_492 : memref<1x128x128xf32, #tpu.memory_space<vmem>> -> memref<128x128xf32, #tpu.memory_space<vmem>>
      %dma_start3A_494 = arith.constant 0 : i32
      %dma_start3A_495 = tpu.memref_slice %arg4[%mul3A_488, %dma_start3A_494] : memref<819200x128xf32, #tpu.memory_space<hbm>> -> memref<128x128xf32, #tpu.memory_space<hbm>>
      %dma_start3A_496 = arith.constant 0 : i32
      %dma_start3A_497 = tpu.memref_slice %arg4[%mul3A_488, %dma_start3A_496] : memref<819200x128xf32, #tpu.memory_space<hbm>> -> memref<128x128xf32, #tpu.memory_space<hbm>>
      %dma_start3A_498 = arith.constant 0 : i32
      %dma_start3A_499 = arith.constant 0 : i32
      %dma_start3A_500 = tpu.memref_slice %arg6[%dma_start3A_489, %dma_start3A_498, %dma_start3A_499] : memref<5x128x128xf32, #tpu.memory_space<vmem>> -> memref<1x128x128xf32, #tpu.memory_space<vmem>>
      %dma_start3A_501 = tpu.memref_squeeze %dma_start3A_500 : memref<1x128x128xf32, #tpu.memory_space<vmem>> -> memref<128x128xf32, #tpu.memory_space<vmem>>
      tpu.enqueue_dma source(%dma_start3A_501 : memref<128x128xf32, #tpu.memory_space<vmem>>) target(%dma_start3A_497 : memref<128x128xf32, #tpu.memory_space<hbm>>) target_semaphore(%arg15 : memref<!tpu.dma_semaphore, #tpu.memory_space<semaphore_mem>>)
      %add3A_502 = arith.addi %mul3A_2, %add3A_474 : i32
      %mul3A_503 = arith.constant 128 : i32
      %mul3A_504 = arith.muli %add3A_502, %mul3A_503 : i32
      %dma_wait3A_505 = arith.constant 3 : i32
      %dma_wait3A_506 = arith.constant 0 : i32
      %dma_wait3A_507 = arith.constant 0 : i32
      %dma_wait3A_508 = tpu.memref_slice %arg6[%dma_wait3A_505, %dma_wait3A_506, %dma_wait3A_507] : memref<5x128x128xf32, #tpu.memory_space<vmem>> -> memref<1x128x128xf32, #tpu.memory_space<vmem>>
      %dma_wait3A_509 = tpu.memref_squeeze %dma_wait3A_508 : memref<1x128x128xf32, #tpu.memory_space<vmem>> -> memref<128x128xf32, #tpu.memory_space<vmem>>
      %dma_wait3A_510 = arith.constant 0 : i32
      %dma_wait3A_511 = tpu.memref_slice %arg4[%mul3A_504, %dma_wait3A_510] : memref<819200x128xf32, #tpu.memory_space<hbm>> -> memref<128x128xf32, #tpu.memory_space<hbm>>
      %dma_wait3A_512 = arith.constant 0 : i32
      %dma_wait3A_513 = tpu.memref_slice %arg4[%mul3A_504, %dma_wait3A_512] : memref<819200x128xf32, #tpu.memory_space<hbm>> -> memref<128x128xf32, #tpu.memory_space<hbm>>
      %dma_wait3A_514 = arith.constant 0 : i32
      %dma_wait3A_515 = arith.constant 0 : i32
      %dma_wait3A_516 = tpu.memref_slice %arg6[%dma_wait3A_505, %dma_wait3A_514, %dma_wait3A_515] : memref<5x128x128xf32, #tpu.memory_space<vmem>> -> memref<1x128x128xf32, #tpu.memory_space<vmem>>
      %dma_wait3A_517 = tpu.memref_squeeze %dma_wait3A_516 : memref<1x128x128xf32, #tpu.memory_space<vmem>> -> memref<128x128xf32, #tpu.memory_space<vmem>>
      tpu.wait_dma2 semaphore(%arg15 : memref<!tpu.dma_semaphore, #tpu.memory_space<semaphore_mem>>) src(%dma_wait3A_517 : memref<128x128xf32, #tpu.memory_space<vmem>>) dst(%dma_wait3A_513 : memref<128x128xf32, #tpu.memory_space<hbm>>)
      %add3A_518 = arith.constant 5 : i32
      %add3A_519 = arith.addi %add3A_474, %add3A_518 : i32
      %dma_start3A_520 = arith.constant 3 : i32
      %dma_start3A_521 = arith.constant 0 : i32
      %dma_start3A_522 = arith.constant 0 : i32
      %dma_start3A_523 = tpu.memref_slice %arg6[%dma_start3A_520, %dma_start3A_521, %dma_start3A_522] : memref<5x128x128xf32, #tpu.memory_space<vmem>> -> memref<1x128x128xf32, #tpu.memory_space<vmem>>
      %dma_start3A_524 = tpu.memref_squeeze %dma_start3A_523 : memref<1x128x128xf32, #tpu.memory_space<vmem>> -> memref<128x128xf32, #tpu.memory_space<vmem>>
      %dma_start3A_525 = arith.constant 0 : i32
      %dma_start3A_526 = tpu.memref_slice %arg5[%add3A_519, %dma_start3A_525] : memref<200x128xi32, #tpu.memory_space<vmem>> -> memref<1x128xi32, #tpu.memory_space<vmem>>
      %dma_start3A_527 = tpu.memref_squeeze %dma_start3A_526 : memref<1x128xi32, #tpu.memory_space<vmem>> -> memref<128xi32, #tpu.memory_space<vmem>>
      %dma_start3A_528 = arith.constant 0 : i32
      %dma_start3A_529 = arith.constant 0 : i32
      %dma_start3A_530 = tpu.memref_slice %arg3[%dma_start3A_528, %dma_start3A_529] : memref<101024x128xf32, #tpu.memory_space<hbm>> -> memref<101024x128xf32, #tpu.memory_space<hbm>>
      tpu.enqueue_indirect_dma source(%dma_start3A_530 : memref<101024x128xf32, #tpu.memory_space<hbm>>) target(%dma_start3A_524 : memref<128x128xf32, #tpu.memory_space<vmem>>) offsets(%dma_start3A_527 : memref<128xi32, #tpu.memory_space<vmem>>) semaphore(%arg10 : memref<!tpu.dma_semaphore, #tpu.memory_space<semaphore_mem>>)
      %add3A_531 = arith.constant 4 : i32
      %add3A_532 = arith.addi %mul3A_298, %add3A_531 : i32
      %dma_wait3A_533 = arith.constant 4 : i32
      %dma_wait3A_534 = arith.constant 0 : i32
      %dma_wait3A_535 = arith.constant 0 : i32
      %dma_wait3A_536 = tpu.memref_slice %arg6[%dma_wait3A_533, %dma_wait3A_534, %dma_wait3A_535] : memref<5x128x128xf32, #tpu.memory_space<vmem>> -> memref<1x128x128xf32, #tpu.memory_space<vmem>>
      %dma_wait3A_537 = tpu.memref_squeeze %dma_wait3A_536 : memref<1x128x128xf32, #tpu.memory_space<vmem>> -> memref<128x128xf32, #tpu.memory_space<vmem>>
      %dma_wait3A_538 = arith.constant 0 : i32
      %dma_wait3A_539 = tpu.memref_slice %arg5[%add3A_532, %dma_wait3A_538] : memref<200x128xi32, #tpu.memory_space<vmem>> -> memref<1x128xi32, #tpu.memory_space<vmem>>
      %dma_wait3A_540 = tpu.memref_squeeze %dma_wait3A_539 : memref<1x128xi32, #tpu.memory_space<vmem>> -> memref<128xi32, #tpu.memory_space<vmem>>
      %dma_wait3A_541 = arith.constant 0 : i32
      %dma_wait3A_542 = arith.constant 0 : i32
      %dma_wait3A_543 = tpu.memref_slice %arg3[%dma_wait3A_541, %dma_wait3A_542] : memref<101024x128xf32, #tpu.memory_space<hbm>> -> memref<101024x128xf32, #tpu.memory_space<hbm>>
      tpu.wait_indirect_dma semaphore(%arg11 : memref<!tpu.dma_semaphore, #tpu.memory_space<semaphore_mem>>) src(%dma_wait3A_543 : memref<101024x128xf32, #tpu.memory_space<hbm>>) dst(%dma_wait3A_537 : memref<128x128xf32, #tpu.memory_space<vmem>>)
      %add3A_544 = arith.addi %mul3A_2, %add3A_532 : i32
      %mul3A_545 = arith.constant 128 : i32
      %mul3A_546 = arith.muli %add3A_544, %mul3A_545 : i32
      %dma_start3A_547 = arith.constant 4 : i32
      %dma_start3A_548 = arith.constant 0 : i32
      %dma_start3A_549 = arith.constant 0 : i32
      %dma_start3A_550 = tpu.memref_slice %arg6[%dma_start3A_547, %dma_start3A_548, %dma_start3A_549] : memref<5x128x128xf32, #tpu.memory_space<vmem>> -> memref<1x128x128xf32, #tpu.memory_space<vmem>>
      %dma_start3A_551 = tpu.memref_squeeze %dma_start3A_550 : memref<1x128x128xf32, #tpu.memory_space<vmem>> -> memref<128x128xf32, #tpu.memory_space<vmem>>
      %dma_start3A_552 = arith.constant 0 : i32
      %dma_start3A_553 = tpu.memref_slice %arg4[%mul3A_546, %dma_start3A_552] : memref<819200x128xf32, #tpu.memory_space<hbm>> -> memref<128x128xf32, #tpu.memory_space<hbm>>
      %dma_start3A_554 = arith.constant 0 : i32
      %dma_start3A_555 = tpu.memref_slice %arg4[%mul3A_546, %dma_start3A_554] : memref<819200x128xf32, #tpu.memory_space<hbm>> -> memref<128x128xf32, #tpu.memory_space<hbm>>
      %dma_start3A_556 = arith.constant 0 : i32
      %dma_start3A_557 = arith.constant 0 : i32
      %dma_start3A_558 = tpu.memref_slice %arg6[%dma_start3A_547, %dma_start3A_556, %dma_start3A_557] : memref<5x128x128xf32, #tpu.memory_space<vmem>> -> memref<1x128x128xf32, #tpu.memory_space<vmem>>
      %dma_start3A_559 = tpu.memref_squeeze %dma_start3A_558 : memref<1x128x128xf32, #tpu.memory_space<vmem>> -> memref<128x128xf32, #tpu.memory_space<vmem>>
      tpu.enqueue_dma source(%dma_start3A_559 : memref<128x128xf32, #tpu.memory_space<vmem>>) target(%dma_start3A_555 : memref<128x128xf32, #tpu.memory_space<hbm>>) target_semaphore(%arg16 : memref<!tpu.dma_semaphore, #tpu.memory_space<semaphore_mem>>)
      %add3A_560 = arith.addi %mul3A_2, %add3A_532 : i32
      %mul3A_561 = arith.constant 128 : i32
      %mul3A_562 = arith.muli %add3A_560, %mul3A_561 : i32
      %dma_wait3A_563 = arith.constant 4 : i32
      %dma_wait3A_564 = arith.constant 0 : i32
      %dma_wait3A_565 = arith.constant 0 : i32
      %dma_wait3A_566 = tpu.memref_slice %arg6[%dma_wait3A_563, %dma_wait3A_564, %dma_wait3A_565] : memref<5x128x128xf32, #tpu.memory_space<vmem>> -> memref<1x128x128xf32, #tpu.memory_space<vmem>>
      %dma_wait3A_567 = tpu.memref_squeeze %dma_wait3A_566 : memref<1x128x128xf32, #tpu.memory_space<vmem>> -> memref<128x128xf32, #tpu.memory_space<vmem>>
      %dma_wait3A_568 = arith.constant 0 : i32
      %dma_wait3A_569 = tpu.memref_slice %arg4[%mul3A_562, %dma_wait3A_568] : memref<819200x128xf32, #tpu.memory_space<hbm>> -> memref<128x128xf32, #tpu.memory_space<hbm>>
      %dma_wait3A_570 = arith.constant 0 : i32
      %dma_wait3A_571 = tpu.memref_slice %arg4[%mul3A_562, %dma_wait3A_570] : memref<819200x128xf32, #tpu.memory_space<hbm>> -> memref<128x128xf32, #tpu.memory_space<hbm>>
      %dma_wait3A_572 = arith.constant 0 : i32
      %dma_wait3A_573 = arith.constant 0 : i32
      %dma_wait3A_574 = tpu.memref_slice %arg6[%dma_wait3A_563, %dma_wait3A_572, %dma_wait3A_573] : memref<5x128x128xf32, #tpu.memory_space<vmem>> -> memref<1x128x128xf32, #tpu.memory_space<vmem>>
      %dma_wait3A_575 = tpu.memref_squeeze %dma_wait3A_574 : memref<1x128x128xf32, #tpu.memory_space<vmem>> -> memref<128x128xf32, #tpu.memory_space<vmem>>
      tpu.wait_dma2 semaphore(%arg16 : memref<!tpu.dma_semaphore, #tpu.memory_space<semaphore_mem>>) src(%dma_wait3A_575 : memref<128x128xf32, #tpu.memory_space<vmem>>) dst(%dma_wait3A_571 : memref<128x128xf32, #tpu.memory_space<hbm>>)
      %add3A_576 = arith.constant 5 : i32
      %add3A_577 = arith.addi %add3A_532, %add3A_576 : i32
      %dma_start3A_578 = arith.constant 4 : i32
      %dma_start3A_579 = arith.constant 0 : i32
      %dma_start3A_580 = arith.constant 0 : i32
      %dma_start3A_581 = tpu.memref_slice %arg6[%dma_start3A_578, %dma_start3A_579, %dma_start3A_580] : memref<5x128x128xf32, #tpu.memory_space<vmem>> -> memref<1x128x128xf32, #tpu.memory_space<vmem>>
      %dma_start3A_582 = tpu.memref_squeeze %dma_start3A_581 : memref<1x128x128xf32, #tpu.memory_space<vmem>> -> memref<128x128xf32, #tpu.memory_space<vmem>>
      %dma_start3A_583 = arith.constant 0 : i32
      %dma_start3A_584 = tpu.memref_slice %arg5[%add3A_577, %dma_start3A_583] : memref<200x128xi32, #tpu.memory_space<vmem>> -> memref<1x128xi32, #tpu.memory_space<vmem>>
      %dma_start3A_585 = tpu.memref_squeeze %dma_start3A_584 : memref<1x128xi32, #tpu.memory_space<vmem>> -> memref<128xi32, #tpu.memory_space<vmem>>
      %dma_start3A_586 = arith.constant 0 : i32
      %dma_start3A_587 = arith.constant 0 : i32
      %dma_start3A_588 = tpu.memref_slice %arg3[%dma_start3A_586, %dma_start3A_587] : memref<101024x128xf32, #tpu.memory_space<hbm>> -> memref<101024x128xf32, #tpu.memory_space<hbm>>
      tpu.enqueue_indirect_dma source(%dma_start3A_588 : memref<101024x128xf32, #tpu.memory_space<hbm>>) target(%dma_start3A_582 : memref<128x128xf32, #tpu.memory_space<vmem>>) offsets(%dma_start3A_585 : memref<128xi32, #tpu.memory_space<vmem>>) semaphore(%arg11 : memref<!tpu.dma_semaphore, #tpu.memory_space<semaphore_mem>>)
    }
    %scan3A_66 = arith.constant 39 : i32
    %dma_wait3A = arith.constant 195 : i32
    %dma_wait3A_67 = arith.constant 0 : i32
    %dma_wait3A_68 = arith.constant 0 : i32
    %dma_wait3A_69 = arith.constant 0 : i32
    %dma_wait3A_70 = tpu.memref_slice %arg6[%dma_wait3A_67, %dma_wait3A_68, %dma_wait3A_69] : memref<5x128x128xf32, #tpu.memory_space<vmem>> -> memref<1x128x128xf32, #tpu.memory_space<vmem>>
    %dma_wait3A_71 = tpu.memref_squeeze %dma_wait3A_70 : memref<1x128x128xf32, #tpu.memory_space<vmem>> -> memref<128x128xf32, #tpu.memory_space<vmem>>
    %dma_wait3A_72 = arith.constant 0 : i32
    %dma_wait3A_73 = tpu.memref_slice %arg5[%dma_wait3A, %dma_wait3A_72] : memref<200x128xi32, #tpu.memory_space<vmem>> -> memref<1x128xi32, #tpu.memory_space<vmem>>
    %dma_wait3A_74 = tpu.memref_squeeze %dma_wait3A_73 : memref<1x128xi32, #tpu.memory_space<vmem>> -> memref<128xi32, #tpu.memory_space<vmem>>
    %dma_wait3A_75 = arith.constant 0 : i32
    %dma_wait3A_76 = arith.constant 0 : i32
    %dma_wait3A_77 = tpu.memref_slice %arg3[%dma_wait3A_75, %dma_wait3A_76] : memref<101024x128xf32, #tpu.memory_space<hbm>> -> memref<101024x128xf32, #tpu.memory_space<hbm>>
    tpu.wait_indirect_dma semaphore(%arg7 : memref<!tpu.dma_semaphore, #tpu.memory_space<semaphore_mem>>) src(%dma_wait3A_77 : memref<101024x128xf32, #tpu.memory_space<hbm>>) dst(%dma_wait3A_71 : memref<128x128xf32, #tpu.memory_space<vmem>>)
    %add3A_78 = arith.constant 195 : i32
    %add3A_79 = arith.addi %mul3A_2, %add3A_78 : i32
    %mul3A_80 = arith.constant 128 : i32
    %mul3A_81 = arith.muli %add3A_79, %mul3A_80 : i32
    %dma_start3A_82 = arith.constant 0 : i32
    %dma_start3A_83 = arith.constant 0 : i32
    %dma_start3A_84 = arith.constant 0 : i32
    %dma_start3A_85 = tpu.memref_slice %arg6[%dma_start3A_82, %dma_start3A_83, %dma_start3A_84] : memref<5x128x128xf32, #tpu.memory_space<vmem>> -> memref<1x128x128xf32, #tpu.memory_space<vmem>>
    %dma_start3A_86 = tpu.memref_squeeze %dma_start3A_85 : memref<1x128x128xf32, #tpu.memory_space<vmem>> -> memref<128x128xf32, #tpu.memory_space<vmem>>
    %dma_start3A_87 = arith.constant 0 : i32
    %dma_start3A_88 = tpu.memref_slice %arg4[%mul3A_81, %dma_start3A_87] : memref<819200x128xf32, #tpu.memory_space<hbm>> -> memref<128x128xf32, #tpu.memory_space<hbm>>
    %dma_start3A_89 = arith.constant 0 : i32
    %dma_start3A_90 = tpu.memref_slice %arg4[%mul3A_81, %dma_start3A_89] : memref<819200x128xf32, #tpu.memory_space<hbm>> -> memref<128x128xf32, #tpu.memory_space<hbm>>
    %dma_start3A_91 = arith.constant 0 : i32
    %dma_start3A_92 = arith.constant 0 : i32
    %dma_start3A_93 = tpu.memref_slice %arg6[%dma_start3A_82, %dma_start3A_91, %dma_start3A_92] : memref<5x128x128xf32, #tpu.memory_space<vmem>> -> memref<1x128x128xf32, #tpu.memory_space<vmem>>
    %dma_start3A_94 = tpu.memref_squeeze %dma_start3A_93 : memref<1x128x128xf32, #tpu.memory_space<vmem>> -> memref<128x128xf32, #tpu.memory_space<vmem>>
    tpu.enqueue_dma source(%dma_start3A_94 : memref<128x128xf32, #tpu.memory_space<vmem>>) target(%dma_start3A_90 : memref<128x128xf32, #tpu.memory_space<hbm>>) target_semaphore(%arg12 : memref<!tpu.dma_semaphore, #tpu.memory_space<semaphore_mem>>)
    %dma_wait3A_95 = arith.constant 196 : i32
    %dma_wait3A_96 = arith.constant 1 : i32
    %dma_wait3A_97 = arith.constant 0 : i32
    %dma_wait3A_98 = arith.constant 0 : i32
    %dma_wait3A_99 = tpu.memref_slice %arg6[%dma_wait3A_96, %dma_wait3A_97, %dma_wait3A_98] : memref<5x128x128xf32, #tpu.memory_space<vmem>> -> memref<1x128x128xf32, #tpu.memory_space<vmem>>
    %dma_wait3A_100 = tpu.memref_squeeze %dma_wait3A_99 : memref<1x128x128xf32, #tpu.memory_space<vmem>> -> memref<128x128xf32, #tpu.memory_space<vmem>>
    %dma_wait3A_101 = arith.constant 0 : i32
    %dma_wait3A_102 = tpu.memref_slice %arg5[%dma_wait3A_95, %dma_wait3A_101] : memref<200x128xi32, #tpu.memory_space<vmem>> -> memref<1x128xi32, #tpu.memory_space<vmem>>
    %dma_wait3A_103 = tpu.memref_squeeze %dma_wait3A_102 : memref<1x128xi32, #tpu.memory_space<vmem>> -> memref<128xi32, #tpu.memory_space<vmem>>
    %dma_wait3A_104 = arith.constant 0 : i32
    %dma_wait3A_105 = arith.constant 0 : i32
    %dma_wait3A_106 = tpu.memref_slice %arg3[%dma_wait3A_104, %dma_wait3A_105] : memref<101024x128xf32, #tpu.memory_space<hbm>> -> memref<101024x128xf32, #tpu.memory_space<hbm>>
    tpu.wait_indirect_dma semaphore(%arg8 : memref<!tpu.dma_semaphore, #tpu.memory_space<semaphore_mem>>) src(%dma_wait3A_106 : memref<101024x128xf32, #tpu.memory_space<hbm>>) dst(%dma_wait3A_100 : memref<128x128xf32, #tpu.memory_space<vmem>>)
    %add3A_107 = arith.constant 196 : i32
    %add3A_108 = arith.addi %mul3A_2, %add3A_107 : i32
    %mul3A_109 = arith.constant 128 : i32
    %mul3A_110 = arith.muli %add3A_108, %mul3A_109 : i32
    %dma_start3A_111 = arith.constant 1 : i32
    %dma_start3A_112 = arith.constant 0 : i32
    %dma_start3A_113 = arith.constant 0 : i32
    %dma_start3A_114 = tpu.memref_slice %arg6[%dma_start3A_111, %dma_start3A_112, %dma_start3A_113] : memref<5x128x128xf32, #tpu.memory_space<vmem>> -> memref<1x128x128xf32, #tpu.memory_space<vmem>>
    %dma_start3A_115 = tpu.memref_squeeze %dma_start3A_114 : memref<1x128x128xf32, #tpu.memory_space<vmem>> -> memref<128x128xf32, #tpu.memory_space<vmem>>
    %dma_start3A_116 = arith.constant 0 : i32
    %dma_start3A_117 = tpu.memref_slice %arg4[%mul3A_110, %dma_start3A_116] : memref<819200x128xf32, #tpu.memory_space<hbm>> -> memref<128x128xf32, #tpu.memory_space<hbm>>
    %dma_start3A_118 = arith.constant 0 : i32
    %dma_start3A_119 = tpu.memref_slice %arg4[%mul3A_110, %dma_start3A_118] : memref<819200x128xf32, #tpu.memory_space<hbm>> -> memref<128x128xf32, #tpu.memory_space<hbm>>
    %dma_start3A_120 = arith.constant 0 : i32
    %dma_start3A_121 = arith.constant 0 : i32
    %dma_start3A_122 = tpu.memref_slice %arg6[%dma_start3A_111, %dma_start3A_120, %dma_start3A_121] : memref<5x128x128xf32, #tpu.memory_space<vmem>> -> memref<1x128x128xf32, #tpu.memory_space<vmem>>
    %dma_start3A_123 = tpu.memref_squeeze %dma_start3A_122 : memref<1x128x128xf32, #tpu.memory_space<vmem>> -> memref<128x128xf32, #tpu.memory_space<vmem>>
    tpu.enqueue_dma source(%dma_start3A_123 : memref<128x128xf32, #tpu.memory_space<vmem>>) target(%dma_start3A_119 : memref<128x128xf32, #tpu.memory_space<hbm>>) target_semaphore(%arg13 : memref<!tpu.dma_semaphore, #tpu.memory_space<semaphore_mem>>)
    %dma_wait3A_124 = arith.constant 197 : i32
    %dma_wait3A_125 = arith.constant 2 : i32
    %dma_wait3A_126 = arith.constant 0 : i32
    %dma_wait3A_127 = arith.constant 0 : i32
    %dma_wait3A_128 = tpu.memref_slice %arg6[%dma_wait3A_125, %dma_wait3A_126, %dma_wait3A_127] : memref<5x128x128xf32, #tpu.memory_space<vmem>> -> memref<1x128x128xf32, #tpu.memory_space<vmem>>
    %dma_wait3A_129 = tpu.memref_squeeze %dma_wait3A_128 : memref<1x128x128xf32, #tpu.memory_space<vmem>> -> memref<128x128xf32, #tpu.memory_space<vmem>>
    %dma_wait3A_130 = arith.constant 0 : i32
    %dma_wait3A_131 = tpu.memref_slice %arg5[%dma_wait3A_124, %dma_wait3A_130] : memref<200x128xi32, #tpu.memory_space<vmem>> -> memref<1x128xi32, #tpu.memory_space<vmem>>
    %dma_wait3A_132 = tpu.memref_squeeze %dma_wait3A_131 : memref<1x128xi32, #tpu.memory_space<vmem>> -> memref<128xi32, #tpu.memory_space<vmem>>
    %dma_wait3A_133 = arith.constant 0 : i32
    %dma_wait3A_134 = arith.constant 0 : i32
    %dma_wait3A_135 = tpu.memref_slice %arg3[%dma_wait3A_133, %dma_wait3A_134] : memref<101024x128xf32, #tpu.memory_space<hbm>> -> memref<101024x128xf32, #tpu.memory_space<hbm>>
    tpu.wait_indirect_dma semaphore(%arg9 : memref<!tpu.dma_semaphore, #tpu.memory_space<semaphore_mem>>) src(%dma_wait3A_135 : memref<101024x128xf32, #tpu.memory_space<hbm>>) dst(%dma_wait3A_129 : memref<128x128xf32, #tpu.memory_space<vmem>>)
    %add3A_136 = arith.constant 197 : i32
    %add3A_137 = arith.addi %mul3A_2, %add3A_136 : i32
    %mul3A_138 = arith.constant 128 : i32
    %mul3A_139 = arith.muli %add3A_137, %mul3A_138 : i32
    %dma_start3A_140 = arith.constant 2 : i32
    %dma_start3A_141 = arith.constant 0 : i32
    %dma_start3A_142 = arith.constant 0 : i32
    %dma_start3A_143 = tpu.memref_slice %arg6[%dma_start3A_140, %dma_start3A_141, %dma_start3A_142] : memref<5x128x128xf32, #tpu.memory_space<vmem>> -> memref<1x128x128xf32, #tpu.memory_space<vmem>>
    %dma_start3A_144 = tpu.memref_squeeze %dma_start3A_143 : memref<1x128x128xf32, #tpu.memory_space<vmem>> -> memref<128x128xf32, #tpu.memory_space<vmem>>
    %dma_start3A_145 = arith.constant 0 : i32
    %dma_start3A_146 = tpu.memref_slice %arg4[%mul3A_139, %dma_start3A_145] : memref<819200x128xf32, #tpu.memory_space<hbm>> -> memref<128x128xf32, #tpu.memory_space<hbm>>
    %dma_start3A_147 = arith.constant 0 : i32
    %dma_start3A_148 = tpu.memref_slice %arg4[%mul3A_139, %dma_start3A_147] : memref<819200x128xf32, #tpu.memory_space<hbm>> -> memref<128x128xf32, #tpu.memory_space<hbm>>
    %dma_start3A_149 = arith.constant 0 : i32
    %dma_start3A_150 = arith.constant 0 : i32
    %dma_start3A_151 = tpu.memref_slice %arg6[%dma_start3A_140, %dma_start3A_149, %dma_start3A_150] : memref<5x128x128xf32, #tpu.memory_space<vmem>> -> memref<1x128x128xf32, #tpu.memory_space<vmem>>
    %dma_start3A_152 = tpu.memref_squeeze %dma_start3A_151 : memref<1x128x128xf32, #tpu.memory_space<vmem>> -> memref<128x128xf32, #tpu.memory_space<vmem>>
    tpu.enqueue_dma source(%dma_start3A_152 : memref<128x128xf32, #tpu.memory_space<vmem>>) target(%dma_start3A_148 : memref<128x128xf32, #tpu.memory_space<hbm>>) target_semaphore(%arg14 : memref<!tpu.dma_semaphore, #tpu.memory_space<semaphore_mem>>)
    %dma_wait3A_153 = arith.constant 198 : i32
    %dma_wait3A_154 = arith.constant 3 : i32
    %dma_wait3A_155 = arith.constant 0 : i32
    %dma_wait3A_156 = arith.constant 0 : i32
    %dma_wait3A_157 = tpu.memref_slice %arg6[%dma_wait3A_154, %dma_wait3A_155, %dma_wait3A_156] : memref<5x128x128xf32, #tpu.memory_space<vmem>> -> memref<1x128x128xf32, #tpu.memory_space<vmem>>
    %dma_wait3A_158 = tpu.memref_squeeze %dma_wait3A_157 : memref<1x128x128xf32, #tpu.memory_space<vmem>> -> memref<128x128xf32, #tpu.memory_space<vmem>>
    %dma_wait3A_159 = arith.constant 0 : i32
    %dma_wait3A_160 = tpu.memref_slice %arg5[%dma_wait3A_153, %dma_wait3A_159] : memref<200x128xi32, #tpu.memory_space<vmem>> -> memref<1x128xi32, #tpu.memory_space<vmem>>
    %dma_wait3A_161 = tpu.memref_squeeze %dma_wait3A_160 : memref<1x128xi32, #tpu.memory_space<vmem>> -> memref<128xi32, #tpu.memory_space<vmem>>
    %dma_wait3A_162 = arith.constant 0 : i32
    %dma_wait3A_163 = arith.constant 0 : i32
    %dma_wait3A_164 = tpu.memref_slice %arg3[%dma_wait3A_162, %dma_wait3A_163] : memref<101024x128xf32, #tpu.memory_space<hbm>> -> memref<101024x128xf32, #tpu.memory_space<hbm>>
    tpu.wait_indirect_dma semaphore(%arg10 : memref<!tpu.dma_semaphore, #tpu.memory_space<semaphore_mem>>) src(%dma_wait3A_164 : memref<101024x128xf32, #tpu.memory_space<hbm>>) dst(%dma_wait3A_158 : memref<128x128xf32, #tpu.memory_space<vmem>>)
    %add3A_165 = arith.constant 198 : i32
    %add3A_166 = arith.addi %mul3A_2, %add3A_165 : i32
    %mul3A_167 = arith.constant 128 : i32
    %mul3A_168 = arith.muli %add3A_166, %mul3A_167 : i32
    %dma_start3A_169 = arith.constant 3 : i32
    %dma_start3A_170 = arith.constant 0 : i32
    %dma_start3A_171 = arith.constant 0 : i32
    %dma_start3A_172 = tpu.memref_slice %arg6[%dma_start3A_169, %dma_start3A_170, %dma_start3A_171] : memref<5x128x128xf32, #tpu.memory_space<vmem>> -> memref<1x128x128xf32, #tpu.memory_space<vmem>>
    %dma_start3A_173 = tpu.memref_squeeze %dma_start3A_172 : memref<1x128x128xf32, #tpu.memory_space<vmem>> -> memref<128x128xf32, #tpu.memory_space<vmem>>
    %dma_start3A_174 = arith.constant 0 : i32
    %dma_start3A_175 = tpu.memref_slice %arg4[%mul3A_168, %dma_start3A_174] : memref<819200x128xf32, #tpu.memory_space<hbm>> -> memref<128x128xf32, #tpu.memory_space<hbm>>
    %dma_start3A_176 = arith.constant 0 : i32
    %dma_start3A_177 = tpu.memref_slice %arg4[%mul3A_168, %dma_start3A_176] : memref<819200x128xf32, #tpu.memory_space<hbm>> -> memref<128x128xf32, #tpu.memory_space<hbm>>
    %dma_start3A_178 = arith.constant 0 : i32
    %dma_start3A_179 = arith.constant 0 : i32
    %dma_start3A_180 = tpu.memref_slice %arg6[%dma_start3A_169, %dma_start3A_178, %dma_start3A_179] : memref<5x128x128xf32, #tpu.memory_space<vmem>> -> memref<1x128x128xf32, #tpu.memory_space<vmem>>
    %dma_start3A_181 = tpu.memref_squeeze %dma_start3A_180 : memref<1x128x128xf32, #tpu.memory_space<vmem>> -> memref<128x128xf32, #tpu.memory_space<vmem>>
    tpu.enqueue_dma source(%dma_start3A_181 : memref<128x128xf32, #tpu.memory_space<vmem>>) target(%dma_start3A_177 : memref<128x128xf32, #tpu.memory_space<hbm>>) target_semaphore(%arg15 : memref<!tpu.dma_semaphore, #tpu.memory_space<semaphore_mem>>)
    %dma_wait3A_182 = arith.constant 199 : i32
    %dma_wait3A_183 = arith.constant 4 : i32
    %dma_wait3A_184 = arith.constant 0 : i32
    %dma_wait3A_185 = arith.constant 0 : i32
    %dma_wait3A_186 = tpu.memref_slice %arg6[%dma_wait3A_183, %dma_wait3A_184, %dma_wait3A_185] : memref<5x128x128xf32, #tpu.memory_space<vmem>> -> memref<1x128x128xf32, #tpu.memory_space<vmem>>
    %dma_wait3A_187 = tpu.memref_squeeze %dma_wait3A_186 : memref<1x128x128xf32, #tpu.memory_space<vmem>> -> memref<128x128xf32, #tpu.memory_space<vmem>>
    %dma_wait3A_188 = arith.constant 0 : i32
    %dma_wait3A_189 = tpu.memref_slice %arg5[%dma_wait3A_182, %dma_wait3A_188] : memref<200x128xi32, #tpu.memory_space<vmem>> -> memref<1x128xi32, #tpu.memory_space<vmem>>
    %dma_wait3A_190 = tpu.memref_squeeze %dma_wait3A_189 : memref<1x128xi32, #tpu.memory_space<vmem>> -> memref<128xi32, #tpu.memory_space<vmem>>
    %dma_wait3A_191 = arith.constant 0 : i32
    %dma_wait3A_192 = arith.constant 0 : i32
    %dma_wait3A_193 = tpu.memref_slice %arg3[%dma_wait3A_191, %dma_wait3A_192] : memref<101024x128xf32, #tpu.memory_space<hbm>> -> memref<101024x128xf32, #tpu.memory_space<hbm>>
    tpu.wait_indirect_dma semaphore(%arg11 : memref<!tpu.dma_semaphore, #tpu.memory_space<semaphore_mem>>) src(%dma_wait3A_193 : memref<101024x128xf32, #tpu.memory_space<hbm>>) dst(%dma_wait3A_187 : memref<128x128xf32, #tpu.memory_space<vmem>>)
    %add3A_194 = arith.constant 199 : i32
    %add3A_195 = arith.addi %mul3A_2, %add3A_194 : i32
    %mul3A_196 = arith.constant 128 : i32
    %mul3A_197 = arith.muli %add3A_195, %mul3A_196 : i32
    %dma_start3A_198 = arith.constant 4 : i32
    %dma_start3A_199 = arith.constant 0 : i32
    %dma_start3A_200 = arith.constant 0 : i32
    %dma_start3A_201 = tpu.memref_slice %arg6[%dma_start3A_198, %dma_start3A_199, %dma_start3A_200] : memref<5x128x128xf32, #tpu.memory_space<vmem>> -> memref<1x128x128xf32, #tpu.memory_space<vmem>>
    %dma_start3A_202 = tpu.memref_squeeze %dma_start3A_201 : memref<1x128x128xf32, #tpu.memory_space<vmem>> -> memref<128x128xf32, #tpu.memory_space<vmem>>
    %dma_start3A_203 = arith.constant 0 : i32
    %dma_start3A_204 = tpu.memref_slice %arg4[%mul3A_197, %dma_start3A_203] : memref<819200x128xf32, #tpu.memory_space<hbm>> -> memref<128x128xf32, #tpu.memory_space<hbm>>
    %dma_start3A_205 = arith.constant 0 : i32
    %dma_start3A_206 = tpu.memref_slice %arg4[%mul3A_197, %dma_start3A_205] : memref<819200x128xf32, #tpu.memory_space<hbm>> -> memref<128x128xf32, #tpu.memory_space<hbm>>
    %dma_start3A_207 = arith.constant 0 : i32
    %dma_start3A_208 = arith.constant 0 : i32
    %dma_start3A_209 = tpu.memref_slice %arg6[%dma_start3A_198, %dma_start3A_207, %dma_start3A_208] : memref<5x128x128xf32, #tpu.memory_space<vmem>> -> memref<1x128x128xf32, #tpu.memory_space<vmem>>
    %dma_start3A_210 = tpu.memref_squeeze %dma_start3A_209 : memref<1x128x128xf32, #tpu.memory_space<vmem>> -> memref<128x128xf32, #tpu.memory_space<vmem>>
    tpu.enqueue_dma source(%dma_start3A_210 : memref<128x128xf32, #tpu.memory_space<vmem>>) target(%dma_start3A_206 : memref<128x128xf32, #tpu.memory_space<hbm>>) target_semaphore(%arg16 : memref<!tpu.dma_semaphore, #tpu.memory_space<semaphore_mem>>)
    %add3A_211 = arith.constant 195 : i32
    %add3A_212 = arith.addi %mul3A_2, %add3A_211 : i32
    %mul3A_213 = arith.constant 128 : i32
    %mul3A_214 = arith.muli %add3A_212, %mul3A_213 : i32
    %dma_wait3A_215 = arith.constant 0 : i32
    %dma_wait3A_216 = arith.constant 0 : i32
    %dma_wait3A_217 = arith.constant 0 : i32
    %dma_wait3A_218 = tpu.memref_slice %arg6[%dma_wait3A_215, %dma_wait3A_216, %dma_wait3A_217] : memref<5x128x128xf32, #tpu.memory_space<vmem>> -> memref<1x128x128xf32, #tpu.memory_space<vmem>>
    %dma_wait3A_219 = tpu.memref_squeeze %dma_wait3A_218 : memref<1x128x128xf32, #tpu.memory_space<vmem>> -> memref<128x128xf32, #tpu.memory_space<vmem>>
    %dma_wait3A_220 = arith.constant 0 : i32
    %dma_wait3A_221 = tpu.memref_slice %arg4[%mul3A_214, %dma_wait3A_220] : memref<819200x128xf32, #tpu.memory_space<hbm>> -> memref<128x128xf32, #tpu.memory_space<hbm>>
    %dma_wait3A_222 = arith.constant 0 : i32
    %dma_wait3A_223 = tpu.memref_slice %arg4[%mul3A_214, %dma_wait3A_222] : memref<819200x128xf32, #tpu.memory_space<hbm>> -> memref<128x128xf32, #tpu.memory_space<hbm>>
    %dma_wait3A_224 = arith.constant 0 : i32
    %dma_wait3A_225 = arith.constant 0 : i32
    %dma_wait3A_226 = tpu.memref_slice %arg6[%dma_wait3A_215, %dma_wait3A_224, %dma_wait3A_225] : memref<5x128x128xf32, #tpu.memory_space<vmem>> -> memref<1x128x128xf32, #tpu.memory_space<vmem>>
    %dma_wait3A_227 = tpu.memref_squeeze %dma_wait3A_226 : memref<1x128x128xf32, #tpu.memory_space<vmem>> -> memref<128x128xf32, #tpu.memory_space<vmem>>
    tpu.wait_dma2 semaphore(%arg12 : memref<!tpu.dma_semaphore, #tpu.memory_space<semaphore_mem>>) src(%dma_wait3A_227 : memref<128x128xf32, #tpu.memory_space<vmem>>) dst(%dma_wait3A_223 : memref<128x128xf32, #tpu.memory_space<hbm>>)
    %add3A_228 = arith.constant 196 : i32
    %add3A_229 = arith.addi %mul3A_2, %add3A_228 : i32
    %mul3A_230 = arith.constant 128 : i32
    %mul3A_231 = arith.muli %add3A_229, %mul3A_230 : i32
    %dma_wait3A_232 = arith.constant 1 : i32
    %dma_wait3A_233 = arith.constant 0 : i32
    %dma_wait3A_234 = arith.constant 0 : i32
    %dma_wait3A_235 = tpu.memref_slice %arg6[%dma_wait3A_232, %dma_wait3A_233, %dma_wait3A_234] : memref<5x128x128xf32, #tpu.memory_space<vmem>> -> memref<1x128x128xf32, #tpu.memory_space<vmem>>
    %dma_wait3A_236 = tpu.memref_squeeze %dma_wait3A_235 : memref<1x128x128xf32, #tpu.memory_space<vmem>> -> memref<128x128xf32, #tpu.memory_space<vmem>>
    %dma_wait3A_237 = arith.constant 0 : i32
    %dma_wait3A_238 = tpu.memref_slice %arg4[%mul3A_231, %dma_wait3A_237] : memref<819200x128xf32, #tpu.memory_space<hbm>> -> memref<128x128xf32, #tpu.memory_space<hbm>>
    %dma_wait3A_239 = arith.constant 0 : i32
    %dma_wait3A_240 = tpu.memref_slice %arg4[%mul3A_231, %dma_wait3A_239] : memref<819200x128xf32, #tpu.memory_space<hbm>> -> memref<128x128xf32, #tpu.memory_space<hbm>>
    %dma_wait3A_241 = arith.constant 0 : i32
    %dma_wait3A_242 = arith.constant 0 : i32
    %dma_wait3A_243 = tpu.memref_slice %arg6[%dma_wait3A_232, %dma_wait3A_241, %dma_wait3A_242] : memref<5x128x128xf32, #tpu.memory_space<vmem>> -> memref<1x128x128xf32, #tpu.memory_space<vmem>>
    %dma_wait3A_244 = tpu.memref_squeeze %dma_wait3A_243 : memref<1x128x128xf32, #tpu.memory_space<vmem>> -> memref<128x128xf32, #tpu.memory_space<vmem>>
    tpu.wait_dma2 semaphore(%arg13 : memref<!tpu.dma_semaphore, #tpu.memory_space<semaphore_mem>>) src(%dma_wait3A_244 : memref<128x128xf32, #tpu.memory_space<vmem>>) dst(%dma_wait3A_240 : memref<128x128xf32, #tpu.memory_space<hbm>>)
    %add3A_245 = arith.constant 197 : i32
    %add3A_246 = arith.addi %mul3A_2, %add3A_245 : i32
    %mul3A_247 = arith.constant 128 : i32
    %mul3A_248 = arith.muli %add3A_246, %mul3A_247 : i32
    %dma_wait3A_249 = arith.constant 2 : i32
    %dma_wait3A_250 = arith.constant 0 : i32
    %dma_wait3A_251 = arith.constant 0 : i32
    %dma_wait3A_252 = tpu.memref_slice %arg6[%dma_wait3A_249, %dma_wait3A_250, %dma_wait3A_251] : memref<5x128x128xf32, #tpu.memory_space<vmem>> -> memref<1x128x128xf32, #tpu.memory_space<vmem>>
    %dma_wait3A_253 = tpu.memref_squeeze %dma_wait3A_252 : memref<1x128x128xf32, #tpu.memory_space<vmem>> -> memref<128x128xf32, #tpu.memory_space<vmem>>
    %dma_wait3A_254 = arith.constant 0 : i32
    %dma_wait3A_255 = tpu.memref_slice %arg4[%mul3A_248, %dma_wait3A_254] : memref<819200x128xf32, #tpu.memory_space<hbm>> -> memref<128x128xf32, #tpu.memory_space<hbm>>
    %dma_wait3A_256 = arith.constant 0 : i32
    %dma_wait3A_257 = tpu.memref_slice %arg4[%mul3A_248, %dma_wait3A_256] : memref<819200x128xf32, #tpu.memory_space<hbm>> -> memref<128x128xf32, #tpu.memory_space<hbm>>
    %dma_wait3A_258 = arith.constant 0 : i32
    %dma_wait3A_259 = arith.constant 0 : i32
    %dma_wait3A_260 = tpu.memref_slice %arg6[%dma_wait3A_249, %dma_wait3A_258, %dma_wait3A_259] : memref<5x128x128xf32, #tpu.memory_space<vmem>> -> memref<1x128x128xf32, #tpu.memory_space<vmem>>
    %dma_wait3A_261 = tpu.memref_squeeze %dma_wait3A_260 : memref<1x128x128xf32, #tpu.memory_space<vmem>> -> memref<128x128xf32, #tpu.memory_space<vmem>>
    tpu.wait_dma2 semaphore(%arg14 : memref<!tpu.dma_semaphore, #tpu.memory_space<semaphore_mem>>) src(%dma_wait3A_261 : memref<128x128xf32, #tpu.memory_space<vmem>>) dst(%dma_wait3A_257 : memref<128x128xf32, #tpu.memory_space<hbm>>)
    %add3A_262 = arith.constant 198 : i32
    %add3A_263 = arith.addi %mul3A_2, %add3A_262 : i32
    %mul3A_264 = arith.constant 128 : i32
    %mul3A_265 = arith.muli %add3A_263, %mul3A_264 : i32
    %dma_wait3A_266 = arith.constant 3 : i32
    %dma_wait3A_267 = arith.constant 0 : i32
    %dma_wait3A_268 = arith.constant 0 : i32
    %dma_wait3A_269 = tpu.memref_slice %arg6[%dma_wait3A_266, %dma_wait3A_267, %dma_wait3A_268] : memref<5x128x128xf32, #tpu.memory_space<vmem>> -> memref<1x128x128xf32, #tpu.memory_space<vmem>>
    %dma_wait3A_270 = tpu.memref_squeeze %dma_wait3A_269 : memref<1x128x128xf32, #tpu.memory_space<vmem>> -> memref<128x128xf32, #tpu.memory_space<vmem>>
    %dma_wait3A_271 = arith.constant 0 : i32
    %dma_wait3A_272 = tpu.memref_slice %arg4[%mul3A_265, %dma_wait3A_271] : memref<819200x128xf32, #tpu.memory_space<hbm>> -> memref<128x128xf32, #tpu.memory_space<hbm>>
    %dma_wait3A_273 = arith.constant 0 : i32
    %dma_wait3A_274 = tpu.memref_slice %arg4[%mul3A_265, %dma_wait3A_273] : memref<819200x128xf32, #tpu.memory_space<hbm>> -> memref<128x128xf32, #tpu.memory_space<hbm>>
    %dma_wait3A_275 = arith.constant 0 : i32
    %dma_wait3A_276 = arith.constant 0 : i32
    %dma_wait3A_277 = tpu.memref_slice %arg6[%dma_wait3A_266, %dma_wait3A_275, %dma_wait3A_276] : memref<5x128x128xf32, #tpu.memory_space<vmem>> -> memref<1x128x128xf32, #tpu.memory_space<vmem>>
    %dma_wait3A_278 = tpu.memref_squeeze %dma_wait3A_277 : memref<1x128x128xf32, #tpu.memory_space<vmem>> -> memref<128x128xf32, #tpu.memory_space<vmem>>
    tpu.wait_dma2 semaphore(%arg15 : memref<!tpu.dma_semaphore, #tpu.memory_space<semaphore_mem>>) src(%dma_wait3A_278 : memref<128x128xf32, #tpu.memory_space<vmem>>) dst(%dma_wait3A_274 : memref<128x128xf32, #tpu.memory_space<hbm>>)
    %add3A_279 = arith.constant 199 : i32
    %add3A_280 = arith.addi %mul3A_2, %add3A_279 : i32
    %mul3A_281 = arith.constant 128 : i32
    %mul3A_282 = arith.muli %add3A_280, %mul3A_281 : i32
    %dma_wait3A_283 = arith.constant 4 : i32
    %dma_wait3A_284 = arith.constant 0 : i32
    %dma_wait3A_285 = arith.constant 0 : i32
    %dma_wait3A_286 = tpu.memref_slice %arg6[%dma_wait3A_283, %dma_wait3A_284, %dma_wait3A_285] : memref<5x128x128xf32, #tpu.memory_space<vmem>> -> memref<1x128x128xf32, #tpu.memory_space<vmem>>
    %dma_wait3A_287 = tpu.memref_squeeze %dma_wait3A_286 : memref<1x128x128xf32, #tpu.memory_space<vmem>> -> memref<128x128xf32, #tpu.memory_space<vmem>>
    %dma_wait3A_288 = arith.constant 0 : i32
    %dma_wait3A_289 = tpu.memref_slice %arg4[%mul3A_282, %dma_wait3A_288] : memref<819200x128xf32, #tpu.memory_space<hbm>> -> memref<128x128xf32, #tpu.memory_space<hbm>>
    %dma_wait3A_290 = arith.constant 0 : i32
    %dma_wait3A_291 = tpu.memref_slice %arg4[%mul3A_282, %dma_wait3A_290] : memref<819200x128xf32, #tpu.memory_space<hbm>> -> memref<128x128xf32, #tpu.memory_space<hbm>>
    %dma_wait3A_292 = arith.constant 0 : i32
    %dma_wait3A_293 = arith.constant 0 : i32
    %dma_wait3A_294 = tpu.memref_slice %arg6[%dma_wait3A_283, %dma_wait3A_292, %dma_wait3A_293] : memref<5x128x128xf32, #tpu.memory_space<vmem>> -> memref<1x128x128xf32, #tpu.memory_space<vmem>>
    %dma_wait3A_295 = tpu.memref_squeeze %dma_wait3A_294 : memref<1x128x128xf32, #tpu.memory_space<vmem>> -> memref<128x128xf32, #tpu.memory_space<vmem>>
    tpu.wait_dma2 semaphore(%arg16 : memref<!tpu.dma_semaphore, #tpu.memory_space<semaphore_mem>>) src(%dma_wait3A_295 : memref<128x128xf32, #tpu.memory_space<vmem>>) dst(%dma_wait3A_291 : memref<128x128xf32, #tpu.memory_space<hbm>>)
    return
  }
}

</mosaic_0001>

<sc_bundles>
// kernel: kernel.3.cloned.1.call-start
scs
__scs_entry_jumppad:
0x0: {  	(pc) =	sbr.rel $0x88, $3  }
0x1: {  	(tag) =	ssettag $0x0;
	lr =	simm.s32 $0x1  }
0x2: {  	[smem:$0x3F9E] =	sst lr;
	_ =	strace $0xD0000000  }
0x3: {  	_ = 	snop  }
0x4: {  	_ = 	snop  }
0x5: {  	_ = 	snop  }
0x6: {  	_ = 	snop  }
0x7: {  	_ = 	snop  }
__scs_overlays_trampoline_lowered:
0x8: {  	[smem:$0x3FAD] =	sst s0  }
0x9: {  	[smem:$0x3FAE] =	sst s1  }
0xa: {  	[smem:$0x3FAF] =	sst s2  }
0xb: {  	[smem:$0x3FB0] =	sst s3  }
0xc: {  	[smem:$0x3FB1] =	sst s4  }
0xd: {  	[smem:$0x3FB2] =	sst s5  }
0xe: {  	[smem:$0x3FB3] =	sst s6  }
0xf: {  	[smem:$0x3FB4] =	sst s7  }
0x10: {  	[smem:$0x3FB5] =	sst s8  }
0x11: {  	[smem:$0x3FB6] =	sst s9;
	s0 =	simm.s32 @!p0 $0x0  }
0x12: {  	s1 =	sld [smem:$0x3F9C];
	s0 =	simm.s32 @p0 $0x1  }
0x13: {  	[smem:$0x3FB7] =	sst s0;
	s0 =	simm.s32 @!p1 $0x0  }
0x14: {  	s2 =	sld [smem:$0x3F9B];
	s0 =	simm.s32 @p1 $0x1  }
0x15: {  	[smem:$0x3FB8] =	sst s0;
	s0 =	simm.s32 @!p2 $0x0  }
0x16: {  	s3 =	sld [smem:$0x3FDB];
	s0 =	simm.s32 @p2 $0x1  }
0x17: {  	s4 =	simm.s32 $0x1BF5;
	[smem:$0x3FBA] =	sst s0  }
0x18: {  	s0 =	sld [smem:$0x3F9D];
	_ =	swait.ge [sflag:s4], $0x0  }
0x19: {  	s7 =	sld [smem:$0x3F9E]  }
0x1a: {  	s8 =	sadd.s32 $0xFFFFE003, lr  }
0x1b: {  	s9 =	sadd.s32 $0xFFFFFEF7, lr;
	s5 =	simm.s32 $0xFFFFFFFF;
	p2 =	slt.u32 s8, $0xFFFFF086  }
0x1c: {  	p1 =	slt.u32 s9, $0xF7A;
	s5 =	simm.s32 @!p2 $0x0  }
0x1d: {  	s5 =	simm.s32 @p1 $0x1;
	p0 =	seq.s32 s7, s2  }
0x1e: {  	s7 =	smul.u32 @!p0 $0xF7A, s2;
	p2 =	seq.s32 @!p0 s5, $0x0  }
0x1f: {  	s9 =	smul.u32 $0xF7A, s1;
	s8 =	simm.s32 @!p0 $0x1BF5;
	p2 =	por !p2, p0  }
0x20: {  	[sflag:s8] =	ssyncset.s32 @!p0 $0xFFFFF086;
	s6 =	sadd.s32 @!p0 s3, s7;
	s7 =	simm.s32 @!p0 $0x108  }
0x21: {  	s3 =	sadd.s32 s3, s9;
	s6 =	sadd.s32 @!p0 $0x88, s6;
	s7 =	simm.s32 @p2 $0x1082  }
0x22: {  	[simem:s7], [sflag:s8] =	dma.local @!p0 [hbm:s6], $0xF7A  }
0x23: {  	s9 =	sor.u32 $0xD0000000, s2;
	s6 =	simm.s32 $0x108;
	_ =	swait.ge @!p0 [sflag:s8], $0x0  }
0x24: {  	s3 =	sadd.s32 $0x88, s3;
	s6 =	simm.s32 @!p1 $0x1082;
	[sflag:s4] =	ssyncset.s32 $0xFFFFF086  }
0x25: {  	[simem:s6], [sflag:s4] =	dma.local [hbm:s3], $0xF7A  }
0x26: {  	[smem:$0x3F9E] =	sst s1;
	(tag) =	ssettag s2;
	_ =	strace s9  }
0x27: {  	s1 =	sld [smem:$0x3FAE]  }
0x28: {  	s2 =	sld [smem:$0x3FAF]  }
0x29: {  	s4 =	sld [smem:$0x3FB1]  }
0x2a: {  	p0 =	seq.s32 s5, $0x0;
	s5 =	sld [smem:$0x3FB2]  }
0x2b: {  	s6 =	sld [smem:$0x3FB3]  }
0x2c: {  	s7 =	sld [smem:$0x3FB4]  }
0x2d: {  	s3 =	simm.s32 $0x108;
	s8 =	sld [smem:$0x3FB5]  }
0x2e: {  	s3 =	simm.s32 @!p0 $0x1082;
	s9 =	sld [smem:$0x3FB6]  }
0x2f: {  	lr =	sadd.s32 s0, s3;
	s0 =	sld [smem:$0x3FAD]  }
0x30: {  	s3 =	sld [smem:$0x3FB0]  }
0x31: {  	[smem:$0x3FB9] =	sst s10  }
0x32: {  	s10 =	sld [smem:$0x3FB7];
	_ =	sdelay $0x3  }
0x33: {  	p0 =	seq.s32 s10, $0x1;
	s10 =	sld [smem:$0x3FB9];
	_ =	sdelay $0x3  }
0x34: {  	[smem:$0x3FB9] =	sst s10  }
0x35: {  	s10 =	sld [smem:$0x3FB8];
	_ =	sdelay $0x3  }
0x36: {  	p1 =	seq.s32 s10, $0x1;
	s10 =	sld [smem:$0x3FB9];
	_ =	sdelay $0x3  }
0x37: {  	[smem:$0x3FB9] =	sst s10  }
0x38: {  	s10 =	sld [smem:$0x3FBA]  }
0x39: {  	_ = 	snop;
	(pc) =	sbr.ind lr, $3  }
0x3a: {  	_ = 	snop  }
0x3b: {  	_ = 	snop  }
0x3c: {  	p2 =	seq.s32 s10, $0x1;
	s10 =	sld [smem:$0x3FB9]  }
0x3d: {  	_ =	shalt  }
0x3e: {  	_ =	shalt  }
0x3f: {  	_ =	shalt  }
0x40: {  	_ =	shalt  }
0x41: {  	_ =	shalt  }
0x42: {  	_ =	shalt  }
0x43: {  	_ =	shalt  }
0x44: {  	_ =	shalt  }
0x45: {  	_ =	shalt  }
0x46: {  	_ =	shalt  }
0x47: {  	_ =	shalt  }
0x48: {  	_ =	shalt  }
0x49: {  	_ =	shalt  }
0x4a: {  	_ =	shalt  }
0x4b: {  	_ =	shalt  }
0x4c: {  	_ =	shalt  }
0x4d: {  	_ =	shalt  }
0x4e: {  	_ =	shalt  }
0x4f: {  	_ =	shalt  }
0x50: {  	_ =	shalt  }
0x51: {  	_ =	shalt  }
0x52: {  	_ =	shalt  }
0x53: {  	_ =	shalt  }
0x54: {  	_ =	shalt  }
0x55: {  	_ =	shalt  }
0x56: {  	_ =	shalt  }
0x57: {  	_ =	shalt  }
0x58: {  	_ =	shalt  }
0x59: {  	_ =	shalt  }
0x5a: {  	_ =	shalt  }
0x5b: {  	_ =	shalt  }
0x5c: {  	_ =	shalt  }
0x5d: {  	_ =	shalt  }
0x5e: {  	_ =	shalt  }
0x5f: {  	_ =	shalt  }
0x60: {  	_ =	shalt  }
0x61: {  	_ =	shalt  }
0x62: {  	_ =	shalt  }
0x63: {  	_ =	shalt  }
0x64: {  	_ =	shalt  }
0x65: {  	_ =	shalt  }
0x66: {  	_ =	shalt  }
0x67: {  	_ =	shalt  }
0x68: {  	_ =	shalt  }
0x69: {  	_ =	shalt  }
0x6a: {  	_ =	shalt  }
0x6b: {  	_ =	shalt  }
0x6c: {  	_ =	shalt  }
0x6d: {  	_ =	shalt  }
0x6e: {  	_ =	shalt  }
0x6f: {  	_ =	shalt  }
0x70: {  	_ =	shalt  }
0x71: {  	_ =	shalt  }
0x72: {  	_ =	shalt  }
0x73: {  	_ =	shalt  }
0x74: {  	_ =	shalt  }
0x75: {  	_ =	shalt  }
0x76: {  	_ =	shalt  }
0x77: {  	_ =	shalt  }
0x78: {  	_ =	shalt  }
0x79: {  	_ =	shalt  }
0x7a: {  	_ =	shalt  }
0x7b: {  	_ =	shalt  }
0x7c: {  	_ =	shalt  }
0x7d: {  	_ =	shalt  }
0x7e: {  	_ =	shalt  }
0x7f: {  	_ =	shalt  }
0x80: {  	_ =	shalt  }
0x81: {  	_ =	shalt  }
0x82: {  	_ =	shalt  }
0x83: {  	_ =	shalt  }
0x84: {  	_ =	shalt  }
0x85: {  	_ =	shalt  }
0x86: {  	_ =	shalt  }
0x87: {  	_ =	shalt  }
.Lfunc_end0:
.L_simem_size_0:
called_computation_lowered:
.L_overlay_start_0:
0x88: {  	s2 =	sld [smem:$0x3FD9]  }
0x89: {  	s3 =	sld [smem:$0x3FFE];
	_ =	sdelay $0x1  }
0x8a: {  	s1 =	srdreg.scid  }
0x8b: {  	s0 =	sand.u32 $0x1, s1  }
0x8c: {  	s17 =	sshll.u32 s0, $0xA;
	s2 =	sadd.s32 s3, s2  }
0x8d: {  	s2 =	sadd.s32 s2, s17  }
0x8e: {  	[smem:$0x3FC5] =	sst s2  }
0x8f: {  	_ = 	snop  }
0x90: {  	s2 =	sld [smem:$0x3FD0];
	(tm) =	ssettm $0x1  }
0x91: {  	s18 =	sld [smem:$0x3FFB];
	_ =	sdelay $0x3  }
0x92: {  	_ =	strace s18  }
0x93: {  	s3 =	sld [smem:$0x3FFC];
	_ =	sdelay $0x3  }
0x94: {  	_ =	strace s3  }
0x95: {  	s3 =	sld [smem:$0x3FFD];
	_ =	sdelay $0x3  }
0x96: {  	_ =	strace s3  }
0x97: {  	_ =	strace $0x8FFFFFFF  }
0x98: {  	s19 =	sld [smem:$0x3FDB];
	_ =	sdelay $0x1  }
0x99: {  	s4 =	simm.s32 $_scs_section_size  }
0x9a: {  	s5 =	simm.s32 $_size__tile_overlayer_lowered;
	s6 =	simm.s32 $_tile_overlayer_lowered  }
0x9b: {  	s22 =	simm.s32 $0x1BFF;
	s21 =	sshll.u32 s6, $0x1;
	s3 =	sadd.s32 s4, s19  }
0x9c: {  	s7 =	simm.s32 $0x0;
	s20 =	sshll.u32 s5, $0x1;
	s5 =	sadd.s32 s21, s3  }
0x9d: {  	[timem:s7], [sflag:s22] =	dma.local [hbm:s5], s20  }
0x9e: {  	_ =	swait.ge [sflag:s22], s20  }
0x9f: {  	s4 =	ssub.s32 $0x0, s20;
	[sflag:s22] =	ssyncset.done $0x0  }
0xa0: {  	[sflag:s22] =	ssyncadd.s32 s4;
	_ =	sdelay $0x1  }
0xa1: {  	s23 =	simm.s32 $0x1B8B  }
0xa2: {  	_ =	swait.ge [sflag:s23], $0x1  }
0xa3: {  	[sflag:s23] =	ssyncset.done $0x0  }
0xa4: {  	s25 =	simm.s32 $0x1B8E;
	s24 =	sld [smem:$0x3FFE];
	[sflag:s23] =	ssyncadd.s32 $0xFFFFFFFF  }
0xa5: {  	s26 =	simm.s32 $execute0_lowered;
	[smem:$0x3FD2] =	sst s25  }
0xa6: {  	s5 =	sshll.u32 s26, $0x1;
	_ =	strace $0x80000046;
	[dreg:$0x1] =	wrdreg $0xFFFFFFFF  }
0xa7: {  	s28 =	simm.s32 $_size_execute0_lowered;
	s3 =	sadd.s32 s3, s5;
	[dreg:$0x0] =	wrdreg $0x0  }
0xa8: {  	s5 =	sshll.u32 s28, $0x1;
	[dreg:$0x2] =	wrdreg s3  }
0xa9: {  	[dreg:$0x3] =	wrdreg s5  }
0xaa: {  	[dreg:$0x4] =	wrdreg $0xC0  }
0xab: {  	_ =	task [dreg:s7], $0x5FFFF  }
0xac: {  	[dreg:$0x1] =	wrdreg $0xFFFFFFFF  }
0xad: {  	[dreg:$0x0] =	wrdreg $0x60  }
0xae: {  	[dreg:$0x2] =	wrdreg s24  }
0xaf: {  	[dreg:$0x3] =	wrdreg s2  }
0xb0: {  	[dreg:$0x4] =	wrdreg $0x9  }
0xb1: {  	_ =	task.clear_ibuf [dreg:s7], $0x5FFFF;
	_ =	strace $0x90000046  }
0xb2: {  	s29 =	simm.s32 $0x9;
	_ =	strace $0x80000048  }
0xb3: {  	_ =	swait.ge [sflag:s29], $0x1  }
0xb4: {  	[sflag:s29] =	ssyncadd.s32 $0xFFFFFFFF  }
0xb5: {  	_ =	strace $0x90000048  }
0xb6: {  	_ =	sfence  }
0xb7: {  	s30 =	sld [smem:$0x0];
	_ =	sdelay $0x2  }
0xb8: {  	s31 =	sshll.u32 s1, $0xD;
	s1 =	sshrl.u32 s1, $0x2  }
0xb9: {  	s3 =	sand.u32 $0x4000, s31;
	s1 =	sadd.s32 s1, s30  }
0xba: {  	s0 =	sor.u32 s3, s0;
	s1 =	sshll.u32 s1, $0x11  }
0xbb: {  	s0 =	sor.u32 s1, s0  }
0xbc: {  	s0 =	sadd.s32 $0x8F2B, s0  }
0xbd: {  	[sflag:s0] =	ssyncadd.remote.s32 $0x1  }
0xbe: {  	_ =	sfence.sel $0xFFFF  }
0xbf: {  	[dreg:$0x0] =	wrdreg $0xFFFFFFFF;
	(pc) =	sbr.abs _section_cstart, $3  }
0xc0: {  	[dreg:$0x1] =	wrdreg $0xFFFFFFFF  }
0xc1: {  	_ =	task.clear_ibuf [dreg:s7], $0x2FFFF;
	_ =	strace $0x9FFFFFFF  }
0xc2: {  	(tm) =	ssettm $0x7FFFFFFF  }
0xc3: {  	_ =	shalt  }
tec
execute0_lowered:
.L_overlay_start_1:
0x0: {  	(tag) =	ssettag $0x1  }
0x1: {  	s0 =	rddreg [dreg:$0x0];
	s1 =	srdreg.scid  }
0x2: {  	s9 =	stileid.u32;
	s2 =	rddreg [dreg:$0x1]  }
0x3: {  	s3 =	simm.s32 $0x0;
	s13 =	simm.s32 $0x80;
	s14 =	simm.s32 $0x6400  }
0x4: {  	s15 =	simm.s32 $0xA400;
	s17 =	simm.s32 $0xE400;
	s19 =	simm.s32 $0x12400  }
0x5: {  	s21 =	simm.s32 $0x16400;
	s28 =	simm.s32 $0x8;
	s8 =	smul.u32 $0x190, s9  }
0x6: {  	s29 =	simm.s32 $0x4;
	s1 =	sand.u32 $0x1, s1;
	s11 =	smul.u32 $0xC8000, s9  }
0x7: {  	s30 =	simm.s32 $0x9;
	s4 =	sshll.u32 s9, $0x1;
	s24 =	smul.u32 $0xC8, s1  }
0x8: {  	s4 =	sor.u32 s1, s4;
	s6 =	ssub.s32 $0x2, s1;
	s1 =	smul.u32 $0x64000, s1  }
0x9: {  	s31 =	simm.s32 $0x5;
	[smem:$0x7FF] =	sst s3;
	s5 =	smul.u32 $0xC80, s4  }
0xa: {  	_ =	strace $0x80000047;
	s7 =	smul.u32 $0x320000, s4;
	s4 =	sadd.s32 $0x19400, s0  }
0xb: {  	s22 =	sshrl.u32 s6, $0x1;
	s26 =	sadd.s32 s24, s8;
	s1 =	sadd.s32 s1, s11  }
0xc: {  	s24 =	simm.s32 $0x2;
	s5 =	sadd.s32 s5, s0;
	s0 =	ssub.s32 s6, s22  }
0xd: {  	s23 =	sshrl.u32 s7, $0x3;
	s12 =	sshll.u32 s26, $0xB;
	[dreg:$0x4] =	wrdreg s1  }
0xe: {  	s22 =	simm.s32 $0x1;
	s26 =	simm.s32 $0x3;
	s1 =	simm.s32 $0xA  }
0xf: {  	s5 =	sadd.s32 $0x400, s5;
	s10 =	sadd.s32 s2, s23;
	[dreg:$0x3] =	wrdreg s12  }
0x10: {  	s11 =	smax.u32 s0, $0x1;
	s12 =	simm.s32 $0xB;
	s23 =	simm.s32 $0x6  }
0x11: {  	s0 =	simm.s32 $0x0;
	[dreg:$0x5] =	wrdreg s5;
	s25 =	sadd.s32 $0x61800, s10  }
0x12: {  	s7 =	sadd.s32 $0x62000, s10;
	s8 =	sadd.s32 $0x62800, s10;
	s9 =	sadd.s32 $0x63000, s10  }
0x13: {  	s10 =	sadd.s32 $0x63800, s10;
	[dreg:$0x6] =	wrdreg s25;
	s25 =	simm.s32 $0x7  }
.LBB2_1:
0x14: {  	s5 =	rddreg [dreg:$0x5]  }
0x15: {  	[tilespmem:s3], [sflag:$0xB] =	stream.linear.gather [hbm4b:s5+s3], $0x6400, $0x38;
	[tilespmem:$0x1A400] =	vst v63  }
0x16: {  	_ =	swait.ge [sflag:s12], $0x6400  }
0x17: {  	[sflag:s12] =	ssyncset.done $0x0  }
0x18: {  	[sflag:s12] =	ssyncadd.s32 $0xFFFF9C00  }
0x19: {  	[tilespmem:s14], [sflag:$0x1] =	stream.indirect.gather [hbm4b:s4+s13], $0x80, s3, s13, $0xb8;
	[tilespmem:$0x1A400] =	vst v63  }
0x1a: {  	_ = 	snop  }
0x1b: {  	[tilespmem:s15], [sflag:$0x2] =	stream.indirect.gather [hbm4b:s4+s13], $0x80, s13, s13, $0xb8;
	[tilespmem:$0x1A400] =	vst v63  }
0x1c: {  	s6 =	simm.s32 $0x100  }
0x1d: {  	[tilespmem:s17], [sflag:$0x3] =	stream.indirect.gather [hbm4b:s4+s13], $0x80, s6, s13, $0xb8;
	[tilespmem:$0x1A400] =	vst v63  }
0x1e: {  	s16 =	simm.s32 $0x180  }
0x1f: {  	[tilespmem:s19], [sflag:$0x4] =	stream.indirect.gather [hbm4b:s4+s13], $0x80, s16, s13, $0xb8;
	[tilespmem:$0x1A400] =	vst v63  }
0x20: {  	s18 =	simm.s32 $0x200  }
0x21: {  	[tilespmem:s21], [sflag:$0x5] =	stream.indirect.gather [hbm4b:s4+s13], $0x80, s18, s13, $0xb8;
	[tilespmem:$0x1A400] =	vst v63  }
0x22: {  	_ =	swait.ge [sflag:s22], $0x4000  }
0x23: {  	s16 =	rddreg [dreg:$0x4];
	[sflag:s22] =	ssyncset.done $0x0  }
0x24: {  	[sflag:s22] =	ssyncadd.s32 $0xFFFFC000;
	s16 =	sadd.s32 s2, s16  }
0x25: {  	[hbm4b:s16+s3] =	stream.linear.scatter [tilespmem:s14], [sflag:$0x6], $0x4000, $0x38;
	[tilespmem:$0x1A400] =	vst v63  }
0x26: {  	_ =	swait.ge [sflag:s23], $0x4000  }
0x27: {  	[sflag:s23] =	ssyncset.done $0x0  }
0x28: {  	s20 =	simm.s32 $0x280;
	[sflag:s23] =	ssyncadd.s32 $0xFFFFC000  }
0x29: {  	[tilespmem:s14], [sflag:$0x1] =	stream.indirect.gather [hbm4b:s4+s13], $0x80, s20, s13, $0xb8;
	[tilespmem:$0x1A400] =	vst v63  }
0x2a: {  	_ =	swait.ge [sflag:s24], $0x4000  }
0x2b: {  	s5 =	rddreg [dreg:$0x3]  }
0x2c: {  	[sflag:s24] =	ssyncset.done $0x0;
	s16 =	sadd.s32 s2, s5  }
0x2d: {  	[sflag:s24] =	ssyncadd.s32 $0xFFFFC000;
	s18 =	sadd.s32 $0x800, s16  }
0x2e: {  	[hbm4b:s18+s3] =	stream.linear.scatter [tilespmem:s15], [sflag:$0x7], $0x4000, $0x38;
	[tilespmem:$0x1A400] =	vst v63  }
0x2f: {  	_ =	swait.ge [sflag:s25], $0x4000  }
0x30: {  	[sflag:s25] =	ssyncset.done $0x0  }
0x31: {  	s6 =	simm.s32 $0x300;
	[sflag:s25] =	ssyncadd.s32 $0xFFFFC000  }
0x32: {  	[tilespmem:s15], [sflag:$0x2] =	stream.indirect.gather [hbm4b:s4+s13], $0x80, s6, s13, $0xb8;
	[tilespmem:$0x1A400] =	vst v63  }
0x33: {  	_ =	swait.ge [sflag:s26], $0x4000  }
0x34: {  	[sflag:s26] =	ssyncset.done $0x0  }
0x35: {  	s20 =	sadd.s32 $0x1000, s16;
	[sflag:s26] =	ssyncadd.s32 $0xFFFFC000  }
0x36: {  	[hbm4b:s20+s3] =	stream.linear.scatter [tilespmem:s17], [sflag:$0x8], $0x4000, $0x38;
	[tilespmem:$0x1A400] =	vst v63  }
0x37: {  	_ =	swait.ge [sflag:s28], $0x4000  }
0x38: {  	[sflag:s28] =	ssyncset.done $0x0  }
0x39: {  	s5 =	simm.s32 $0x380;
	[sflag:s28] =	ssyncadd.s32 $0xFFFFC000  }
0x3a: {  	[tilespmem:s17], [sflag:$0x3] =	stream.indirect.gather [hbm4b:s4+s13], $0x80, s5, s13, $0xb8;
	[tilespmem:$0x1A400] =	vst v63  }
0x3b: {  	_ =	swait.ge [sflag:s29], $0x4000  }
0x3c: {  	[sflag:s29] =	ssyncset.done $0x0  }
0x3d: {  	s6 =	sadd.s32 $0x1800, s16;
	[sflag:s29] =	ssyncadd.s32 $0xFFFFC000  }
0x3e: {  	[hbm4b:s6+s3] =	stream.linear.scatter [tilespmem:s19], [sflag:$0x9], $0x4000, $0x38;
	[tilespmem:$0x1A400] =	vst v63  }
0x3f: {  	_ =	swait.ge [sflag:s30], $0x4000  }
0x40: {  	[sflag:s30] =	ssyncset.done $0x0  }
0x41: {  	s20 =	simm.s32 $0x400;
	[sflag:s30] =	ssyncadd.s32 $0xFFFFC000  }
0x42: {  	[tilespmem:s19], [sflag:$0x4] =	stream.indirect.gather [hbm4b:s4+s13], $0x80, s20, s13, $0xb8;
	[tilespmem:$0x1A400] =	vst v63  }
0x43: {  	_ =	swait.ge [sflag:s31], $0x4000  }
0x44: {  	[sflag:s31] =	ssyncset.done $0x0  }
0x45: {  	s16 =	sadd.s32 $0x2000, s16;
	[sflag:s31] =	ssyncadd.s32 $0xFFFFC000  }
0x46: {  	[hbm4b:s16+s3] =	stream.linear.scatter [tilespmem:s21], [sflag:$0xA], $0x4000, $0x38;
	[tilespmem:$0x1A400] =	vst v63  }
0x47: {  	_ =	swait.ge [sflag:s1], $0x4000  }
0x48: {  	s18 =	sadd.s32 $0x2800, s2;
	[sflag:s1] =	ssyncset.done $0x0  }
0x49: {  	s20 =	simm.s32 $0x480;
	s16 =	simm.s32 $0xA00;
	[sflag:s1] =	ssyncadd.s32 $0xFFFFC000  }
.LBB2_2:
0x4a: {  	[tilespmem:s21], [sflag:$0x5] =	stream.indirect.gather [hbm4b:s4+s13], $0x80, s20, s13, $0xb8;
	[tilespmem:$0x1A400] =	vst v63  }
0x4b: {  	_ =	swait.ge [sflag:s22], $0x4000  }
0x4c: {  	s5 =	rddreg [dreg:$0x4];
	[sflag:s22] =	ssyncset.done $0x0  }
0x4d: {  	[sflag:s22] =	ssyncadd.s32 $0xFFFFC000;
	s5 =	sadd.s32 s18, s5  }
0x4e: {  	[hbm4b:s5+s3] =	stream.linear.scatter [tilespmem:s14], [sflag:$0x6], $0x4000, $0x38;
	[tilespmem:$0x1A400] =	vst v63  }
0x4f: {  	s6 =	smov.u32 s16;
	_ =	swait.ge [sflag:s23], $0x4000  }
0x50: {  	s20 =	sshra.s32 s6, $0x2;
	[sflag:s23] =	ssyncset.done $0x0  }
0x51: {  	s6 =	sadd.s32 $0x280, s20;
	[sflag:s23] =	ssyncadd.s32 $0xFFFFC000  }
0x52: {  	[tilespmem:s14], [sflag:$0x1] =	stream.indirect.gather [hbm4b:s4+s13], $0x80, s6, s13, $0xb8;
	[tilespmem:$0x1A400] =	vst v63  }
0x53: {  	_ =	swait.ge [sflag:s24], $0x4000  }
0x54: {  	s6 =	rddreg [dreg:$0x3]  }
0x55: {  	[sflag:s24] =	ssyncset.done $0x0;
	s5 =	sadd.s32 s18, s6  }
0x56: {  	[sflag:s24] =	ssyncadd.s32 $0xFFFFC000;
	s6 =	sadd.s32 $0x800, s5  }
0x57: {  	[hbm4b:s6+s3] =	stream.linear.scatter [tilespmem:s15], [sflag:$0x7], $0x4000, $0x38;
	[tilespmem:$0x1A400] =	vst v63  }
0x58: {  	_ =	swait.ge [sflag:s25], $0x4000  }
0x59: {  	[sflag:s25] =	ssyncset.done $0x0  }
0x5a: {  	s6 =	sadd.s32 $0x300, s20;
	[sflag:s25] =	ssyncadd.s32 $0xFFFFC000  }
0x5b: {  	[tilespmem:s15], [sflag:$0x2] =	stream.indirect.gather [hbm4b:s4+s13], $0x80, s6, s13, $0xb8;
	[tilespmem:$0x1A400] =	vst v63  }
0x5c: {  	_ =	swait.ge [sflag:s26], $0x4000  }
0x5d: {  	[sflag:s26] =	ssyncset.done $0x0  }
0x5e: {  	s6 =	sadd.s32 $0x1000, s5;
	[sflag:s26] =	ssyncadd.s32 $0xFFFFC000  }
0x5f: {  	[hbm4b:s6+s3] =	stream.linear.scatter [tilespmem:s17], [sflag:$0x8], $0x4000, $0x38;
	[tilespmem:$0x1A400] =	vst v63  }
0x60: {  	_ =	swait.ge [sflag:s28], $0x4000  }
0x61: {  	[sflag:s28] =	ssyncset.done $0x0  }
0x62: {  	s6 =	sadd.s32 $0x380, s20;
	[sflag:s28] =	ssyncadd.s32 $0xFFFFC000  }
0x63: {  	[tilespmem:s17], [sflag:$0x3] =	stream.indirect.gather [hbm4b:s4+s13], $0x80, s6, s13, $0xb8;
	[tilespmem:$0x1A400] =	vst v63  }
0x64: {  	_ =	swait.ge [sflag:s29], $0x4000  }
0x65: {  	[sflag:s29] =	ssyncset.done $0x0  }
0x66: {  	s6 =	sadd.s32 $0x1800, s5;
	[sflag:s29] =	ssyncadd.s32 $0xFFFFC000  }
0x67: {  	[hbm4b:s6+s3] =	stream.linear.scatter [tilespmem:s19], [sflag:$0x9], $0x4000, $0x38;
	[tilespmem:$0x1A400] =	vst v63  }
0x68: {  	_ =	swait.ge [sflag:s30], $0x4000  }
0x69: {  	[sflag:s30] =	ssyncset.done $0x0  }
0x6a: {  	s6 =	sadd.s32 $0x400, s20;
	[sflag:s30] =	ssyncadd.s32 $0xFFFFC000  }
0x6b: {  	[tilespmem:s19], [sflag:$0x4] =	stream.indirect.gather [hbm4b:s4+s13], $0x80, s6, s13, $0xb8;
	[tilespmem:$0x1A400] =	vst v63  }
0x6c: {  	_ =	swait.ge [sflag:s31], $0x4000  }
0x6d: {  	p0 =	sne.s32 s16, $0x17C00;
	[sflag:s31] =	ssyncset.done $0x0  }
.Ltmp0:
0x6e: {  	s5 =	sadd.s32 $0x2000, s5;
	[sflag:s31] =	ssyncadd.s32 $0xFFFFC000;
	(pc) =	sbr.rel @p0 .LBB2_2-.Ltmp0, $4  }
0x6f: {  	[hbm4b:s5+s3] =	stream.linear.scatter [tilespmem:s21], [sflag:$0xA], $0x4000, $0x38;
	[tilespmem:$0x1A400] =	vst v63  }
0x70: {  	_ =	swait.ge [sflag:s1], $0x4000  }
0x71: {  	s16 =	sadd.s32 $0xA00, s16;
	[sflag:s1] =	ssyncset.done $0x0  }
0x72: {  	s18 =	sadd.s32 $0x2800, s18;
	s20 =	sadd.s32 $0x480, s20;
	[sflag:s1] =	ssyncadd.s32 $0xFFFFC000  }
0x73: {  	[tilespmem:s21], [sflag:$0x5] =	stream.indirect.gather [hbm4b:s4+s13], $0x80, s20, s13, $0xb8;
	[tilespmem:$0x1A400] =	vst v63  }
0x74: {  	_ =	swait.ge [sflag:s22], $0x4000  }
0x75: {  	[sflag:s22] =	ssyncset.done $0x0  }
0x76: {  	s5 =	rddreg [dreg:$0x6];
	[sflag:s22] =	ssyncadd.s32 $0xFFFFC000  }
0x77: {  	[hbm4b:s5+s3] =	stream.linear.scatter [tilespmem:s14], [sflag:$0x6], $0x4000, $0x38;
	[tilespmem:$0x1A400] =	vst v63  }
0x78: {  	_ =	swait.ge [sflag:s24], $0x4000  }
0x79: {  	[sflag:s24] =	ssyncset.done $0x0  }
0x7a: {  	[sflag:s24] =	ssyncadd.s32 $0xFFFFC000  }
0x7b: {  	[hbm4b:s7+s3] =	stream.linear.scatter [tilespmem:s15], [sflag:$0x7], $0x4000, $0x38;
	[tilespmem:$0x1A400] =	vst v63  }
0x7c: {  	_ =	swait.ge [sflag:s26], $0x4000  }
0x7d: {  	[sflag:s26] =	ssyncset.done $0x0  }
0x7e: {  	[sflag:s26] =	ssyncadd.s32 $0xFFFFC000  }
0x7f: {  	[hbm4b:s8+s3] =	stream.linear.scatter [tilespmem:s17], [sflag:$0x8], $0x4000, $0x38;
	[tilespmem:$0x1A400] =	vst v63  }
0x80: {  	_ =	swait.ge [sflag:s29], $0x4000  }
0x81: {  	[sflag:s29] =	ssyncset.done $0x0  }
0x82: {  	[sflag:s29] =	ssyncadd.s32 $0xFFFFC000  }
0x83: {  	[hbm4b:s9+s3] =	stream.linear.scatter [tilespmem:s19], [sflag:$0x9], $0x4000, $0x38;
	[tilespmem:$0x1A400] =	vst v63  }
0x84: {  	_ =	swait.ge [sflag:s31], $0x4000  }
0x85: {  	[sflag:s31] =	ssyncset.done $0x0  }
0x86: {  	[sflag:s31] =	ssyncadd.s32 $0xFFFFC000  }
0x87: {  	[hbm4b:s10+s3] =	stream.linear.scatter [tilespmem:s21], [sflag:$0xA], $0x4000, $0x38;
	[tilespmem:$0x1A400] =	vst v63  }
0x88: {  	_ =	swait.ge [sflag:s23], $0x4000  }
0x89: {  	[sflag:s23] =	ssyncset.done $0x0  }
0x8a: {  	[sflag:s23] =	ssyncadd.s32 $0xFFFFC000  }
0x8b: {  	_ =	swait.ge [sflag:s25], $0x4000  }
0x8c: {  	[sflag:s25] =	ssyncset.done $0x0  }
0x8d: {  	[sflag:s25] =	ssyncadd.s32 $0xFFFFC000  }
0x8e: {  	_ =	swait.ge [sflag:s28], $0x4000  }
0x8f: {  	[sflag:s28] =	ssyncset.done $0x0  }
0x90: {  	s0 =	sadd.s32 $0x1, s0;
	[sflag:s28] =	ssyncadd.s32 $0xFFFFC000  }
0x91: {  	p0 =	sne.s32 s0, s11;
	_ =	swait.ge [sflag:s30], $0x4000  }
.Ltmp1:
0x92: {  	[sflag:s30] =	ssyncset.done $0x0;
	(pc) =	sbr.rel @p0 .LBB2_1-.Ltmp1, $4  }
0x93: {  	[sflag:s30] =	ssyncadd.s32 $0xFFFFC000  }
0x94: {  	_ =	swait.ge [sflag:s1], $0x4000  }
0x95: {  	[sflag:s1] =	ssyncset.done $0x0  }
0x96: {  	[sflag:s1] =	ssyncadd.s32 $0xFFFFC000  }
0x97: {  	_ =	sfence.sel $0x180000  }
0x98: {  	[bflag:$0x0] =	sbarrier.arrive $0xFFFF  }
0x99: {  	_ =	strace $0x90000047  }
0x9a: {  	s0 =	stileid.u32;
	[bflag:$0x2] =	sbarrier.arrive $0xFFFF  }
0x9b: {  	p0 =	sne.s32 s0, $0x0;
	s0 =	rddreg [dreg:$0x2]  }
0x9c: {  	s0 =	sadd.s32 @!p0 $0x100000, s0  }
0x9d: {  	[sflag:s0] =	ssyncadd.tile.s32 @!p0 $0x1;
	_ =	shalt  }
.Lfunc_end2:
_tile_overlayer_lowered:
.L_overlay_start_2:
0x9e: {  	(tag) =	ssettag $0x2  }
0x9f: {  	s0 =	rddreg [dreg:$0x0];
	s2 =	stileid.u32  }
0xa0: {  	s1 =	rddreg [dreg:$0x1];
	p0 =	sne.s32 s2, $0x0  }
0xa1: {  	s3 =	rddreg [dreg:$0x2];
	[bflag:$0x3] =	sbarrier.arrive $0xFFFF;
	s2 =	simm.s32 @!p0 $0x1C0B  }
0xa2: {  	[timem:s3], [sflag:s2] =	dma.local @!p0 [hbm:s0], s1  }
0xa3: {  	s0 =	simm.s32 @!p0 $0xB  }
0xa4: {  	_ =	swait.ge @!p0 [sflag:s0], s1  }
0xa5: {  	s1 =	ssub.s32 @!p0 $0x0, s1;
	[sflag:s0] =	ssyncset.done @!p0 $0x0  }
0xa6: {  	[sflag:s0] =	ssyncadd.s32 @!p0 s1  }
0xa7: {  	[bflag:$0x3] =	sbarrier.arrive $0xFFFF  }
0xa8: {  	_ =	shalt  }

</sc_bundles>
